<compile_context>
chip_gen: v7x
topology: tpu7x:2x2x1
jax: 0.10.2.dev20260603
libtpu: 0.0.44.dev20260713+nightly
codegen_flags: <defaults>
</compile_context>

<pallas_src>
import functools

import jax
import jax.numpy as jnp
from jax import lax
from jax.experimental import pallas as pl
from jax.experimental.pallas import tpu as pltpu
from jax.experimental.pallas import tpu_sc as plsc

_VOCAB = 100000
_EMBED = 128
_BATCH = 4096
_SEQLEN = 200
_NCLASS = 5

_NC = 2
_NS = 16
_LANES = 16
_NW = _NC * _NS

_EPT = _BATCH // _NW
_NBUF = 4
_C1 = 104
_C2 = _SEQLEN - _C1


_PACK = 128 // _LANES
_VROWS = _VOCAB // _PACK


_BM = 1000


def _proj_body(t_ref, w_ref, o_ref):
    acc = jnp.dot(t_ref[:, 0, :], w_ref[0],
                  preferred_element_type=jnp.float32)
    for g in range(1, _PACK):
        acc = acc + jnp.dot(t_ref[:, g, :], w_ref[g],
                            preferred_element_type=jnp.float32)
    o_ref[...] = acc


def _project(table3, w_t):
    return pl.pallas_call(
        _proj_body,
        grid=(pl.cdiv(_VROWS, _BM),),
        in_specs=[
            pl.BlockSpec((_BM, _PACK, _EMBED), lambda i: (i, 0, 0)),
            pl.BlockSpec((_PACK, _EMBED, 128), lambda i: (0, 0, 0)),
        ],
        out_specs=pl.BlockSpec((_BM, 128), lambda i: (i, 0)),
        out_shape=jax.ShapeDtypeStruct((_VROWS, 128), jnp.float32),
    )(table3, w_t)


def _sc_body(idx_hbm, proj_hbm, bias_hbm, out_hbm,
             idx_v, rows_v, out_v, bias_v, *sems):
    wid = lax.axis_index("s") * _NC + lax.axis_index("c")
    base = wid * _EPT

    pltpu.sync_copy(idx_hbm.at[pl.ds(base * _SEQLEN, _EPT * _SEQLEN)], idx_v)
    pltpu.sync_copy(bias_hbm, bias_v)
    bias = bias_v[...]

    def fire(e, slot):
        off = pl.multiple_of(e * _SEQLEN, 8)
        pltpu.async_copy(proj_hbm.at[idx_v.at[pl.ds(off, _C1)]],
                         rows_v.at[slot, pl.ds(0, _C1)], sems[slot])
        off2 = pl.multiple_of(e * _SEQLEN + _C1, 8)
        pltpu.async_copy(proj_hbm.at[idx_v.at[pl.ds(off2, _C2)]],
                         rows_v.at[slot, pl.ds(_C1, _C2)], sems[slot])

    def drain(slot):
        pltpu.make_async_copy(proj_hbm.at[idx_v.at[pl.ds(0, _C1)]],
                              rows_v.at[slot, pl.ds(0, _C1)],
                              sems[slot]).wait()
        pltpu.make_async_copy(proj_hbm.at[idx_v.at[pl.ds(0, _C2)]],
                              rows_v.at[slot, pl.ds(_C1, _C2)],
                              sems[slot]).wait()

    def reduce(slot):
        def step(i, accs):
            return tuple(accs[a] + rows_v[slot, i * 8 + a, :]
                         for a in range(8))
        accs = lax.fori_loop(
            1, _SEQLEN // 8, step,
            tuple(rows_v[slot, a, :] for a in range(8)))
        return (((accs[0] + accs[1]) + (accs[2] + accs[3]))
                + ((accs[4] + accs[5]) + (accs[6] + accs[7])))

    for s in range(_NBUF):
        fire(s, s)

    def body(g, carry):
        for s in range(_NBUF):
            e = g * _NBUF + s
            drain(s)
            out_v[e, :] = reduce(s) + bias
            nxt = e + _NBUF

            @pl.when(nxt < _EPT)
            def _():
                fire(nxt, s)
        return carry

    lax.fori_loop(0, _EPT // _NBUF, body, 0)

    pltpu.sync_copy(out_v, out_hbm.at[pl.ds(base, _EPT)])


_sc_pool = functools.partial(
    pl.kernel,
    out_type=jax.ShapeDtypeStruct((_BATCH, _LANES), jnp.float32),
    mesh=plsc.VectorSubcoreMesh(core_axis_name="c", subcore_axis_name="s",
                                num_cores=_NC, num_subcores=_NS),
    scratch_types=[
        pltpu.VMEM((_EPT * _SEQLEN,), jnp.int32),
        pltpu.VMEM((_NBUF, _SEQLEN, _LANES), jnp.float32),
        pltpu.VMEM((_EPT, _LANES), jnp.float32),
        pltpu.VMEM((_LANES,), jnp.float32),
    ] + [pltpu.SemaphoreType.DMA] * _NBUF,
    compiler_params=pltpu.CompilerParams(use_tc_tiling_on_sc=False),
)(_sc_body)


def kernel(inputs, table, W, b):
    idx = inputs.astype(jnp.int32).reshape(_BATCH * _SEQLEN)
    w_t = jnp.zeros((_LANES, _EMBED), jnp.float32).at[:_NCLASS].set(
        W * jnp.float32(1.0 / _SEQLEN)).T
    bias = jnp.zeros((_LANES,), jnp.float32).at[:_NCLASS].set(b)
    w_all = (jnp.eye(_PACK, dtype=jnp.float32)[:, None, :, None]
             * w_t[None, :, None, :]).reshape(_PACK, _EMBED, 128)
    proj = _project(table.reshape(_VROWS, _PACK, _EMBED), w_all)
    out16 = _sc_pool(idx, proj.reshape(_VOCAB, _LANES), bias)
    return out16[:, :_NCLASS]

# --- scband reference (transcript-rebuilt; emitter-appended) ---
"""Pipeline reference for scband-fast-text-84035330114097 (READ-ONLY COPY).

The authoritative reference and input builder live on the scoring server;
editing this copy changes nothing except your own understanding.
"""

import jax, jax.numpy as jnp
import numpy as np

VOCAB = 100000
EMBED = 128
BATCH = 4096
SEQLEN = 200
NCLASS = 5

def setup_inputs(seed: int = 0) -> dict:
    key = jax.random.key(seed)
    k_idx, k_tab, k_w, k_b = jax.random.split(key, 4)
    inputs = jax.random.randint(k_idx, (BATCH, SEQLEN), 0, VOCAB, dtype=jnp.int64)
    table = jax.random.normal(k_tab, (VOCAB, EMBED), dtype=jnp.float32)
    W = jax.random.normal(k_w, (NCLASS, EMBED), dtype=jnp.float32) * (1.0 / np.sqrt(EMBED))
    b = jax.random.normal(k_b, (NCLASS,), dtype=jnp.float32) * 0.01
    return {"inputs": inputs, "table": table, "W": W, "b": b}

def reference(inputs, table, W, b):
    # embedding lookup: [B, L, D]
    embed = jnp.take(table, inputs, axis=0)
    # dropout in eval mode = identity
    # F.avg_pool2d(embed, (L, 1)).squeeze(1) == mean over sequence dim
    pooled = jnp.mean(embed, axis=1)
    # linear layer
    outputs = pooled @ W.T + b
    return outputs

if __name__ == "__main__":
    import jax
    _d = setup_inputs()
    print(jax.jit(kernel)(*tuple(_d.values())))

</pallas_src>

<mosaic_0001>
#map = affine_map<(d0, d1) -> (0)>
#map1 = affine_map<(d0, d1) -> (0, 0)>
module attributes {stable_mosaic.version = 14 : i64} {
  func.func @_sc_body(%arg0: i32, %arg1: i32, %arg2: memref<819200xi32, #tpu.memory_space<hbm>>, %arg3: memref<100000x16xf32, #tpu.memory_space<hbm>>, %arg4: memref<16xf32, #tpu.memory_space<hbm>>, %arg5: memref<4096x16xf32, #tpu.memory_space<hbm>>, %arg6: memref<25600xi32, #tpu.memory_space<vmem>>, %arg7: memref<4x200x16xf32, #tpu.memory_space<vmem>>, %arg8: memref<128x16xf32, #tpu.memory_space<vmem>>, %arg9: memref<16xf32, #tpu.memory_space<vmem>>, %arg10: memref<!tpu.dma_semaphore, #tpu.memory_space<semaphore_mem>>, %arg11: memref<!tpu.dma_semaphore, #tpu.memory_space<semaphore_mem>>, %arg12: memref<!tpu.dma_semaphore, #tpu.memory_space<semaphore_mem>>, %arg13: memref<!tpu.dma_semaphore, #tpu.memory_space<semaphore_mem>>) attributes {dimension_semantics = [#tpu.dimension_semantics<core_parallel>, #tpu.dimension_semantics<subcore_parallel>], iteration_bounds = array<i64: 2, 16>, scalar_prefetch = 0 : i64, scratch_operands = 8 : i64, tpu.core_type = #tpu.core_type<sc_vector_subcore>, window_params = [{transform_indices = #map}, {transform_indices = #map1}, {transform_indices = #map}, {transform_indices = #map1}]} {
    %mul3A = arith.constant 2 : i32
    %mul3A_0 = arith.muli %arg1, %mul3A : i32
    %add3A = arith.addi %mul3A_0, %arg0 : i32
    %mul3A_1 = arith.constant 128 : i32
    %mul3A_2 = arith.muli %add3A, %mul3A_1 : i32
    %mul3A_3 = arith.constant 200 : i32
    %mul3A_4 = arith.muli %mul3A_2, %mul3A_3 : i32
    "tpu.region"() ({
      %run_scoped3A = tpu.sem_alloc : memref<!tpu.dma_semaphore, #tpu.memory_space<semaphore_mem>>
      %dma_start3A_98 = tpu.memref_slice %arg2[%mul3A_4] : memref<819200xi32, #tpu.memory_space<hbm>> -> memref<25600xi32, #tpu.memory_space<hbm>>
      %dma_start3A_99 = tpu.memref_slice %arg2[%mul3A_4] : memref<819200xi32, #tpu.memory_space<hbm>> -> memref<25600xi32, #tpu.memory_space<hbm>>
      tpu.enqueue_dma source(%dma_start3A_99 : memref<25600xi32, #tpu.memory_space<hbm>>) target(%arg6 : memref<25600xi32, #tpu.memory_space<vmem>>) target_semaphore(%run_scoped3A : memref<!tpu.dma_semaphore, #tpu.memory_space<semaphore_mem>>)
      %dma_wait3A = tpu.memref_slice %arg2[%mul3A_4] : memref<819200xi32, #tpu.memory_space<hbm>> -> memref<25600xi32, #tpu.memory_space<hbm>>
      %dma_wait3A_100 = tpu.memref_slice %arg2[%mul3A_4] : memref<819200xi32, #tpu.memory_space<hbm>> -> memref<25600xi32, #tpu.memory_space<hbm>>
      tpu.wait_dma2 semaphore(%run_scoped3A : memref<!tpu.dma_semaphore, #tpu.memory_space<semaphore_mem>>) src(%dma_wait3A_100 : memref<25600xi32, #tpu.memory_space<hbm>>) dst(%arg6 : memref<25600xi32, #tpu.memory_space<vmem>>)
      tpu.yield
    }) : () -> ()
    "tpu.region"() ({
      %run_scoped3A = tpu.sem_alloc : memref<!tpu.dma_semaphore, #tpu.memory_space<semaphore_mem>>
      tpu.enqueue_dma source(%arg4 : memref<16xf32, #tpu.memory_space<hbm>>) target(%arg9 : memref<16xf32, #tpu.memory_space<vmem>>) target_semaphore(%run_scoped3A : memref<!tpu.dma_semaphore, #tpu.memory_space<semaphore_mem>>)
      tpu.wait_dma2 semaphore(%run_scoped3A : memref<!tpu.dma_semaphore, #tpu.memory_space<semaphore_mem>>) src(%arg4 : memref<16xf32, #tpu.memory_space<hbm>>) dst(%arg9 : memref<16xf32, #tpu.memory_space<vmem>>)
      tpu.yield
    }) : () -> ()
    %get3A = arith.constant 0 : index
    %get3A_5 = tpu.vector_load %arg9[%get3A] {strides = array<i32>} : memref<16xf32, #tpu.memory_space<vmem>>, vector<16xf32>,
    %get3A_6 = vector.shape_cast %get3A_5 : vector<16xf32> to vector<16xf32>
    %multiple_of3A = arith.constant 0 : i32
    %multiple_of3A_7 = tpu.assume_multiple %multiple_of3A, 8 : i32
    %dma_start3A = arith.constant 0 : i32
    %dma_start3A_8 = arith.constant 0 : i32
    %dma_start3A_9 = arith.constant 0 : i32
    %dma_start3A_10 = tpu.memref_slice %arg7[%dma_start3A, %dma_start3A_8, %dma_start3A_9] : memref<4x200x16xf32, #tpu.memory_space<vmem>> -> memref<1x104x16xf32, #tpu.memory_space<vmem>>
    %dma_start3A_11 = tpu.memref_squeeze %dma_start3A_10 : memref<1x104x16xf32, #tpu.memory_space<vmem>> -> memref<104x16xf32, #tpu.memory_space<vmem>>
    %dma_start3A_12 = tpu.memref_slice %arg6[%multiple_of3A_7] : memref<25600xi32, #tpu.memory_space<vmem>> -> memref<104xi32, #tpu.memory_space<vmem>>
    %dma_start3A_13 = arith.constant 0 : i32
    %dma_start3A_14 = arith.constant 0 : i32
    %dma_start3A_15 = tpu.memref_slice %arg3[%dma_start3A_13, %dma_start3A_14] : memref<100000x16xf32, #tpu.memory_space<hbm>> -> memref<100000x16xf32, #tpu.memory_space<hbm>>
    tpu.enqueue_indirect_dma source(%dma_start3A_15 : memref<100000x16xf32, #tpu.memory_space<hbm>>) target(%dma_start3A_11 : memref<104x16xf32, #tpu.memory_space<vmem>>) offsets(%dma_start3A_12 : memref<104xi32, #tpu.memory_space<vmem>>) semaphore(%arg10 : memref<!tpu.dma_semaphore, #tpu.memory_space<semaphore_mem>>)
    %multiple_of3A_16 = arith.constant 104 : i32
    %multiple_of3A_17 = tpu.assume_multiple %multiple_of3A_16, 8 : i32
    %dma_start3A_18 = arith.constant 0 : i32
    %dma_start3A_19 = arith.constant 104 : i32
    %dma_start3A_20 = arith.constant 0 : i32
    %dma_start3A_21 = tpu.memref_slice %arg7[%dma_start3A_18, %dma_start3A_19, %dma_start3A_20] : memref<4x200x16xf32, #tpu.memory_space<vmem>> -> memref<1x96x16xf32, #tpu.memory_space<vmem>>
    %dma_start3A_22 = tpu.memref_squeeze %dma_start3A_21 : memref<1x96x16xf32, #tpu.memory_space<vmem>> -> memref<96x16xf32, #tpu.memory_space<vmem>>
    %dma_start3A_23 = tpu.memref_slice %arg6[%multiple_of3A_17] : memref<25600xi32, #tpu.memory_space<vmem>> -> memref<96xi32, #tpu.memory_space<vmem>>
    %dma_start3A_24 = arith.constant 0 : i32
    %dma_start3A_25 = arith.constant 0 : i32
    %dma_start3A_26 = tpu.memref_slice %arg3[%dma_start3A_24, %dma_start3A_25] : memref<100000x16xf32, #tpu.memory_space<hbm>> -> memref<100000x16xf32, #tpu.memory_space<hbm>>
    tpu.enqueue_indirect_dma source(%dma_start3A_26 : memref<100000x16xf32, #tpu.memory_space<hbm>>) target(%dma_start3A_22 : memref<96x16xf32, #tpu.memory_space<vmem>>) offsets(%dma_start3A_23 : memref<96xi32, #tpu.memory_space<vmem>>) semaphore(%arg10 : memref<!tpu.dma_semaphore, #tpu.memory_space<semaphore_mem>>)
    %multiple_of3A_27 = arith.constant 200 : i32
    %multiple_of3A_28 = tpu.assume_multiple %multiple_of3A_27, 8 : i32
    %dma_start3A_29 = arith.constant 1 : i32
    %dma_start3A_30 = arith.constant 0 : i32
    %dma_start3A_31 = arith.constant 0 : i32
    %dma_start3A_32 = tpu.memref_slice %arg7[%dma_start3A_29, %dma_start3A_30, %dma_start3A_31] : memref<4x200x16xf32, #tpu.memory_space<vmem>> -> memref<1x104x16xf32, #tpu.memory_space<vmem>>
    %dma_start3A_33 = tpu.memref_squeeze %dma_start3A_32 : memref<1x104x16xf32, #tpu.memory_space<vmem>> -> memref<104x16xf32, #tpu.memory_space<vmem>>
    %dma_start3A_34 = tpu.memref_slice %arg6[%multiple_of3A_28] : memref<25600xi32, #tpu.memory_space<vmem>> -> memref<104xi32, #tpu.memory_space<vmem>>
    %dma_start3A_35 = arith.constant 0 : i32
    %dma_start3A_36 = arith.constant 0 : i32
    %dma_start3A_37 = tpu.memref_slice %arg3[%dma_start3A_35, %dma_start3A_36] : memref<100000x16xf32, #tpu.memory_space<hbm>> -> memref<100000x16xf32, #tpu.memory_space<hbm>>
    tpu.enqueue_indirect_dma source(%dma_start3A_37 : memref<100000x16xf32, #tpu.memory_space<hbm>>) target(%dma_start3A_33 : memref<104x16xf32, #tpu.memory_space<vmem>>) offsets(%dma_start3A_34 : memref<104xi32, #tpu.memory_space<vmem>>) semaphore(%arg11 : memref<!tpu.dma_semaphore, #tpu.memory_space<semaphore_mem>>)
    %multiple_of3A_38 = arith.constant 304 : i32
    %multiple_of3A_39 = tpu.assume_multiple %multiple_of3A_38, 8 : i32
    %dma_start3A_40 = arith.constant 1 : i32
    %dma_start3A_41 = arith.constant 104 : i32
    %dma_start3A_42 = arith.constant 0 : i32
    %dma_start3A_43 = tpu.memref_slice %arg7[%dma_start3A_40, %dma_start3A_41, %dma_start3A_42] : memref<4x200x16xf32, #tpu.memory_space<vmem>> -> memref<1x96x16xf32, #tpu.memory_space<vmem>>
    %dma_start3A_44 = tpu.memref_squeeze %dma_start3A_43 : memref<1x96x16xf32, #tpu.memory_space<vmem>> -> memref<96x16xf32, #tpu.memory_space<vmem>>
    %dma_start3A_45 = tpu.memref_slice %arg6[%multiple_of3A_39] : memref<25600xi32, #tpu.memory_space<vmem>> -> memref<96xi32, #tpu.memory_space<vmem>>
    %dma_start3A_46 = arith.constant 0 : i32
    %dma_start3A_47 = arith.constant 0 : i32
    %dma_start3A_48 = tpu.memref_slice %arg3[%dma_start3A_46, %dma_start3A_47] : memref<100000x16xf32, #tpu.memory_space<hbm>> -> memref<100000x16xf32, #tpu.memory_space<hbm>>
    tpu.enqueue_indirect_dma source(%dma_start3A_48 : memref<100000x16xf32, #tpu.memory_space<hbm>>) target(%dma_start3A_44 : memref<96x16xf32, #tpu.memory_space<vmem>>) offsets(%dma_start3A_45 : memref<96xi32, #tpu.memory_space<vmem>>) semaphore(%arg11 : memref<!tpu.dma_semaphore, #tpu.memory_space<semaphore_mem>>)
    %multiple_of3A_49 = arith.constant 400 : i32
    %multiple_of3A_50 = tpu.assume_multiple %multiple_of3A_49, 8 : i32
    %dma_start3A_51 = arith.constant 2 : i32
    %dma_start3A_52 = arith.constant 0 : i32
    %dma_start3A_53 = arith.constant 0 : i32
    %dma_start3A_54 = tpu.memref_slice %arg7[%dma_start3A_51, %dma_start3A_52, %dma_start3A_53] : memref<4x200x16xf32, #tpu.memory_space<vmem>> -> memref<1x104x16xf32, #tpu.memory_space<vmem>>
    %dma_start3A_55 = tpu.memref_squeeze %dma_start3A_54 : memref<1x104x16xf32, #tpu.memory_space<vmem>> -> memref<104x16xf32, #tpu.memory_space<vmem>>
    %dma_start3A_56 = tpu.memref_slice %arg6[%multiple_of3A_50] : memref<25600xi32, #tpu.memory_space<vmem>> -> memref<104xi32, #tpu.memory_space<vmem>>
    %dma_start3A_57 = arith.constant 0 : i32
    %dma_start3A_58 = arith.constant 0 : i32
    %dma_start3A_59 = tpu.memref_slice %arg3[%dma_start3A_57, %dma_start3A_58] : memref<100000x16xf32, #tpu.memory_space<hbm>> -> memref<100000x16xf32, #tpu.memory_space<hbm>>
    tpu.enqueue_indirect_dma source(%dma_start3A_59 : memref<100000x16xf32, #tpu.memory_space<hbm>>) target(%dma_start3A_55 : memref<104x16xf32, #tpu.memory_space<vmem>>) offsets(%dma_start3A_56 : memref<104xi32, #tpu.memory_space<vmem>>) semaphore(%arg12 : memref<!tpu.dma_semaphore, #tpu.memory_space<semaphore_mem>>)
    %multiple_of3A_60 = arith.constant 504 : i32
    %multiple_of3A_61 = tpu.assume_multiple %multiple_of3A_60, 8 : i32
    %dma_start3A_62 = arith.constant 2 : i32
    %dma_start3A_63 = arith.constant 104 : i32
    %dma_start3A_64 = arith.constant 0 : i32
    %dma_start3A_65 = tpu.memref_slice %arg7[%dma_start3A_62, %dma_start3A_63, %dma_start3A_64] : memref<4x200x16xf32, #tpu.memory_space<vmem>> -> memref<1x96x16xf32, #tpu.memory_space<vmem>>
    %dma_start3A_66 = tpu.memref_squeeze %dma_start3A_65 : memref<1x96x16xf32, #tpu.memory_space<vmem>> -> memref<96x16xf32, #tpu.memory_space<vmem>>
    %dma_start3A_67 = tpu.memref_slice %arg6[%multiple_of3A_61] : memref<25600xi32, #tpu.memory_space<vmem>> -> memref<96xi32, #tpu.memory_space<vmem>>
    %dma_start3A_68 = arith.constant 0 : i32
    %dma_start3A_69 = arith.constant 0 : i32
    %dma_start3A_70 = tpu.memref_slice %arg3[%dma_start3A_68, %dma_start3A_69] : memref<100000x16xf32, #tpu.memory_space<hbm>> -> memref<100000x16xf32, #tpu.memory_space<hbm>>
    tpu.enqueue_indirect_dma source(%dma_start3A_70 : memref<100000x16xf32, #tpu.memory_space<hbm>>) target(%dma_start3A_66 : memref<96x16xf32, #tpu.memory_space<vmem>>) offsets(%dma_start3A_67 : memref<96xi32, #tpu.memory_space<vmem>>) semaphore(%arg12 : memref<!tpu.dma_semaphore, #tpu.memory_space<semaphore_mem>>)
    %multiple_of3A_71 = arith.constant 600 : i32
    %multiple_of3A_72 = tpu.assume_multiple %multiple_of3A_71, 8 : i32
    %dma_start3A_73 = arith.constant 3 : i32
    %dma_start3A_74 = arith.constant 0 : i32
    %dma_start3A_75 = arith.constant 0 : i32
    %dma_start3A_76 = tpu.memref_slice %arg7[%dma_start3A_73, %dma_start3A_74, %dma_start3A_75] : memref<4x200x16xf32, #tpu.memory_space<vmem>> -> memref<1x104x16xf32, #tpu.memory_space<vmem>>
    %dma_start3A_77 = tpu.memref_squeeze %dma_start3A_76 : memref<1x104x16xf32, #tpu.memory_space<vmem>> -> memref<104x16xf32, #tpu.memory_space<vmem>>
    %dma_start3A_78 = tpu.memref_slice %arg6[%multiple_of3A_72] : memref<25600xi32, #tpu.memory_space<vmem>> -> memref<104xi32, #tpu.memory_space<vmem>>
    %dma_start3A_79 = arith.constant 0 : i32
    %dma_start3A_80 = arith.constant 0 : i32
    %dma_start3A_81 = tpu.memref_slice %arg3[%dma_start3A_79, %dma_start3A_80] : memref<100000x16xf32, #tpu.memory_space<hbm>> -> memref<100000x16xf32, #tpu.memory_space<hbm>>
    tpu.enqueue_indirect_dma source(%dma_start3A_81 : memref<100000x16xf32, #tpu.memory_space<hbm>>) target(%dma_start3A_77 : memref<104x16xf32, #tpu.memory_space<vmem>>) offsets(%dma_start3A_78 : memref<104xi32, #tpu.memory_space<vmem>>) semaphore(%arg13 : memref<!tpu.dma_semaphore, #tpu.memory_space<semaphore_mem>>)
    %multiple_of3A_82 = arith.constant 704 : i32
    %multiple_of3A_83 = tpu.assume_multiple %multiple_of3A_82, 8 : i32
    %dma_start3A_84 = arith.constant 3 : i32
    %dma_start3A_85 = arith.constant 104 : i32
    %dma_start3A_86 = arith.constant 0 : i32
    %dma_start3A_87 = tpu.memref_slice %arg7[%dma_start3A_84, %dma_start3A_85, %dma_start3A_86] : memref<4x200x16xf32, #tpu.memory_space<vmem>> -> memref<1x96x16xf32, #tpu.memory_space<vmem>>
    %dma_start3A_88 = tpu.memref_squeeze %dma_start3A_87 : memref<1x96x16xf32, #tpu.memory_space<vmem>> -> memref<96x16xf32, #tpu.memory_space<vmem>>
    %dma_start3A_89 = tpu.memref_slice %arg6[%multiple_of3A_83] : memref<25600xi32, #tpu.memory_space<vmem>> -> memref<96xi32, #tpu.memory_space<vmem>>
    %dma_start3A_90 = arith.constant 0 : i32
    %dma_start3A_91 = arith.constant 0 : i32
    %dma_start3A_92 = tpu.memref_slice %arg3[%dma_start3A_90, %dma_start3A_91] : memref<100000x16xf32, #tpu.memory_space<hbm>> -> memref<100000x16xf32, #tpu.memory_space<hbm>>
    tpu.enqueue_indirect_dma source(%dma_start3A_92 : memref<100000x16xf32, #tpu.memory_space<hbm>>) target(%dma_start3A_88 : memref<96x16xf32, #tpu.memory_space<vmem>>) offsets(%dma_start3A_89 : memref<96xi32, #tpu.memory_space<vmem>>) semaphore(%arg13 : memref<!tpu.dma_semaphore, #tpu.memory_space<semaphore_mem>>)
    %scan3A = arith.constant 0 : i32
    %scan3A_93 = arith.constant 0 : i32
    %scan3A_94 = arith.constant 32 : i32
    %scan3A_95 = arith.addi %scan3A_93, %scan3A_94 : i32
    %scan3A_96 = arith.constant 1 : i32
    scf.for %scan3A_98 = %scan3A_93 to %scan3A_95 step %scan3A_96  : i32 {
      %mul3A_99 = arith.constant 4 : i32
      %mul3A_100 = arith.muli %scan3A_98, %mul3A_99 : i32
      %add3A_101 = arith.constant 0 : i32
      %add3A_102 = arith.addi %mul3A_100, %add3A_101 : i32
      %dma_wait3A = arith.constant 0 : i32
      %dma_wait3A_103 = arith.constant 0 : i32
      %dma_wait3A_104 = arith.constant 0 : i32
      %dma_wait3A_105 = tpu.memref_slice %arg7[%dma_wait3A, %dma_wait3A_103, %dma_wait3A_104] : memref<4x200x16xf32, #tpu.memory_space<vmem>> -> memref<1x104x16xf32, #tpu.memory_space<vmem>>
      %dma_wait3A_106 = tpu.memref_squeeze %dma_wait3A_105 : memref<1x104x16xf32, #tpu.memory_space<vmem>> -> memref<104x16xf32, #tpu.memory_space<vmem>>
      %dma_wait3A_107 = arith.constant 0 : i32
      %dma_wait3A_108 = tpu.memref_slice %arg6[%dma_wait3A_107] : memref<25600xi32, #tpu.memory_space<vmem>> -> memref<104xi32, #tpu.memory_space<vmem>>
      %dma_wait3A_109 = arith.constant 0 : i32
      %dma_wait3A_110 = arith.constant 0 : i32
      %dma_wait3A_111 = tpu.memref_slice %arg3[%dma_wait3A_109, %dma_wait3A_110] : memref<100000x16xf32, #tpu.memory_space<hbm>> -> memref<100000x16xf32, #tpu.memory_space<hbm>>
      tpu.wait_indirect_dma semaphore(%arg10 : memref<!tpu.dma_semaphore, #tpu.memory_space<semaphore_mem>>) src(%dma_wait3A_111 : memref<100000x16xf32, #tpu.memory_space<hbm>>) dst(%dma_wait3A_106 : memref<104x16xf32, #tpu.memory_space<vmem>>)
      %dma_wait3A_112 = arith.constant 0 : i32
      %dma_wait3A_113 = arith.constant 104 : i32
      %dma_wait3A_114 = arith.constant 0 : i32
      %dma_wait3A_115 = tpu.memref_slice %arg7[%dma_wait3A_112, %dma_wait3A_113, %dma_wait3A_114] : memref<4x200x16xf32, #tpu.memory_space<vmem>> -> memref<1x96x16xf32, #tpu.memory_space<vmem>>
      %dma_wait3A_116 = tpu.memref_squeeze %dma_wait3A_115 : memref<1x96x16xf32, #tpu.memory_space<vmem>> -> memref<96x16xf32, #tpu.memory_space<vmem>>
      %dma_wait3A_117 = arith.constant 0 : i32
      %dma_wait3A_118 = tpu.memref_slice %arg6[%dma_wait3A_117] : memref<25600xi32, #tpu.memory_space<vmem>> -> memref<96xi32, #tpu.memory_space<vmem>>
      %dma_wait3A_119 = arith.constant 0 : i32
      %dma_wait3A_120 = arith.constant 0 : i32
      %dma_wait3A_121 = tpu.memref_slice %arg3[%dma_wait3A_119, %dma_wait3A_120] : memref<100000x16xf32, #tpu.memory_space<hbm>> -> memref<100000x16xf32, #tpu.memory_space<hbm>>
      tpu.wait_indirect_dma semaphore(%arg10 : memref<!tpu.dma_semaphore, #tpu.memory_space<semaphore_mem>>) src(%dma_wait3A_121 : memref<100000x16xf32, #tpu.memory_space<hbm>>) dst(%dma_wait3A_116 : memref<96x16xf32, #tpu.memory_space<vmem>>)
      %get3A_122 = arith.constant 0 : i32
      %get3A_123 = arith.constant 0 : i32
      %get3A_124 = arith.index_cast %get3A_122 : i32 to index
      %get3A_125 = arith.index_cast %get3A_123 : i32 to index
      %get3A_126 = arith.constant 0 : index
      %get3A_127 = tpu.vector_load %arg7[%get3A_124, %get3A_125, %get3A_126] {strides = array<i32>} : memref<4x200x16xf32, #tpu.memory_space<vmem>>, vector<1x1x16xf32>,
      %get3A_128 = vector.shape_cast %get3A_127 : vector<1x1x16xf32> to vector<16xf32>
      %get3A_129 = arith.constant 0 : i32
      %get3A_130 = arith.constant 1 : i32
      %get3A_131 = arith.index_cast %get3A_129 : i32 to index
      %get3A_132 = arith.index_cast %get3A_130 : i32 to index
      %get3A_133 = arith.constant 0 : index
      %get3A_134 = tpu.vector_load %arg7[%get3A_131, %get3A_132, %get3A_133] {strides = array<i32>} : memref<4x200x16xf32, #tpu.memory_space<vmem>>, vector<1x1x16xf32>,
      %get3A_135 = vector.shape_cast %get3A_134 : vector<1x1x16xf32> to vector<16xf32>
      %get3A_136 = arith.constant 0 : i32
      %get3A_137 = arith.constant 2 : i32
      %get3A_138 = arith.index_cast %get3A_136 : i32 to index
      %get3A_139 = arith.index_cast %get3A_137 : i32 to index
      %get3A_140 = arith.constant 0 : index
      %get3A_141 = tpu.vector_load %arg7[%get3A_138, %get3A_139, %get3A_140] {strides = array<i32>} : memref<4x200x16xf32, #tpu.memory_space<vmem>>, vector<1x1x16xf32>,
      %get3A_142 = vector.shape_cast %get3A_141 : vector<1x1x16xf32> to vector<16xf32>
      %get3A_143 = arith.constant 0 : i32
      %get3A_144 = arith.constant 3 : i32
      %get3A_145 = arith.index_cast %get3A_143 : i32 to index
      %get3A_146 = arith.index_cast %get3A_144 : i32 to index
      %get3A_147 = arith.constant 0 : index
      %get3A_148 = tpu.vector_load %arg7[%get3A_145, %get3A_146, %get3A_147] {strides = array<i32>} : memref<4x200x16xf32, #tpu.memory_space<vmem>>, vector<1x1x16xf32>,
      %get3A_149 = vector.shape_cast %get3A_148 : vector<1x1x16xf32> to vector<16xf32>
      %get3A_150 = arith.constant 0 : i32
      %get3A_151 = arith.constant 4 : i32
      %get3A_152 = arith.index_cast %get3A_150 : i32 to index
      %get3A_153 = arith.index_cast %get3A_151 : i32 to index
      %get3A_154 = arith.constant 0 : index
      %get3A_155 = tpu.vector_load %arg7[%get3A_152, %get3A_153, %get3A_154] {strides = array<i32>} : memref<4x200x16xf32, #tpu.memory_space<vmem>>, vector<1x1x16xf32>,
      %get3A_156 = vector.shape_cast %get3A_155 : vector<1x1x16xf32> to vector<16xf32>
      %get3A_157 = arith.constant 0 : i32
      %get3A_158 = arith.constant 5 : i32
      %get3A_159 = arith.index_cast %get3A_157 : i32 to index
      %get3A_160 = arith.index_cast %get3A_158 : i32 to index
      %get3A_161 = arith.constant 0 : index
      %get3A_162 = tpu.vector_load %arg7[%get3A_159, %get3A_160, %get3A_161] {strides = array<i32>} : memref<4x200x16xf32, #tpu.memory_space<vmem>>, vector<1x1x16xf32>,
      %get3A_163 = vector.shape_cast %get3A_162 : vector<1x1x16xf32> to vector<16xf32>
      %get3A_164 = arith.constant 0 : i32
      %get3A_165 = arith.constant 6 : i32
      %get3A_166 = arith.index_cast %get3A_164 : i32 to index
      %get3A_167 = arith.index_cast %get3A_165 : i32 to index
      %get3A_168 = arith.constant 0 : index
      %get3A_169 = tpu.vector_load %arg7[%get3A_166, %get3A_167, %get3A_168] {strides = array<i32>} : memref<4x200x16xf32, #tpu.memory_space<vmem>>, vector<1x1x16xf32>,
      %get3A_170 = vector.shape_cast %get3A_169 : vector<1x1x16xf32> to vector<16xf32>
      %get3A_171 = arith.constant 0 : i32
      %get3A_172 = arith.constant 7 : i32
      %get3A_173 = arith.index_cast %get3A_171 : i32 to index
      %get3A_174 = arith.index_cast %get3A_172 : i32 to index
      %get3A_175 = arith.constant 0 : index
      %get3A_176 = tpu.vector_load %arg7[%get3A_173, %get3A_174, %get3A_175] {strides = array<i32>} : memref<4x200x16xf32, #tpu.memory_space<vmem>>, vector<1x1x16xf32>,
      %get3A_177 = vector.shape_cast %get3A_176 : vector<1x1x16xf32> to vector<16xf32>
      %scan3A_178 = arith.constant 1 : i32
      %scan3A_179 = arith.constant 24 : i32
      %scan3A_180 = arith.addi %scan3A_178, %scan3A_179 : i32
      %scan3A_181 = arith.constant 1 : i32
      %scan3A_182:8 = scf.for %scan3A_518 = %scan3A_178 to %scan3A_180 step %scan3A_181 iter_args(%scan3A_519 = %get3A_128, %scan3A_520 = %get3A_135, %scan3A_521 = %get3A_142, %scan3A_522 = %get3A_149, %scan3A_523 = %get3A_156, %scan3A_524 = %get3A_163, %scan3A_525 = %get3A_170, %scan3A_526 = %get3A_177) -> (vector<16xf32>, vector<16xf32>, vector<16xf32>, vector<16xf32>, vector<16xf32>, vector<16xf32>, vector<16xf32>, vector<16xf32>)  : i32 {
        %mul3A_527 = arith.constant 8 : i32
        %mul3A_528 = arith.muli %scan3A_518, %mul3A_527 : i32
        %add3A_529 = arith.constant 0 : i32
        %add3A_530 = arith.addi %mul3A_528, %add3A_529 : i32
        %get3A_531 = arith.constant 0 : i32
        %get3A_532 = arith.index_cast %get3A_531 : i32 to index
        %get3A_533 = arith.index_cast %add3A_530 : i32 to index
        %get3A_534 = arith.constant 0 : index
        %get3A_535 = tpu.vector_load %arg7[%get3A_532, %get3A_533, %get3A_534] {strides = array<i32>} : memref<4x200x16xf32, #tpu.memory_space<vmem>>, vector<1x1x16xf32>,
        %get3A_536 = vector.shape_cast %get3A_535 : vector<1x1x16xf32> to vector<16xf32>
        %add3A_537 = arith.addf %scan3A_519, %get3A_536 : vector<16xf32>
        %mul3A_538 = arith.constant 8 : i32
        %mul3A_539 = arith.muli %scan3A_518, %mul3A_538 : i32
        %add3A_540 = arith.constant 1 : i32
        %add3A_541 = arith.addi %mul3A_539, %add3A_540 : i32
        %get3A_542 = arith.constant 0 : i32
        %get3A_543 = arith.index_cast %get3A_542 : i32 to index
        %get3A_544 = arith.index_cast %add3A_541 : i32 to index
        %get3A_545 = arith.constant 0 : index
        %get3A_546 = tpu.vector_load %arg7[%get3A_543, %get3A_544, %get3A_545] {strides = array<i32>} : memref<4x200x16xf32, #tpu.memory_space<vmem>>, vector<1x1x16xf32>,
        %get3A_547 = vector.shape_cast %get3A_546 : vector<1x1x16xf32> to vector<16xf32>
        %add3A_548 = arith.addf %scan3A_520, %get3A_547 : vector<16xf32>
        %mul3A_549 = arith.constant 8 : i32
        %mul3A_550 = arith.muli %scan3A_518, %mul3A_549 : i32
        %add3A_551 = arith.constant 2 : i32
        %add3A_552 = arith.addi %mul3A_550, %add3A_551 : i32
        %get3A_553 = arith.constant 0 : i32
        %get3A_554 = arith.index_cast %get3A_553 : i32 to index
        %get3A_555 = arith.index_cast %add3A_552 : i32 to index
        %get3A_556 = arith.constant 0 : index
        %get3A_557 = tpu.vector_load %arg7[%get3A_554, %get3A_555, %get3A_556] {strides = array<i32>} : memref<4x200x16xf32, #tpu.memory_space<vmem>>, vector<1x1x16xf32>,
        %get3A_558 = vector.shape_cast %get3A_557 : vector<1x1x16xf32> to vector<16xf32>
        %add3A_559 = arith.addf %scan3A_521, %get3A_558 : vector<16xf32>
        %mul3A_560 = arith.constant 8 : i32
        %mul3A_561 = arith.muli %scan3A_518, %mul3A_560 : i32
        %add3A_562 = arith.constant 3 : i32
        %add3A_563 = arith.addi %mul3A_561, %add3A_562 : i32
        %get3A_564 = arith.constant 0 : i32
        %get3A_565 = arith.index_cast %get3A_564 : i32 to index
        %get3A_566 = arith.index_cast %add3A_563 : i32 to index
        %get3A_567 = arith.constant 0 : index
        %get3A_568 = tpu.vector_load %arg7[%get3A_565, %get3A_566, %get3A_567] {strides = array<i32>} : memref<4x200x16xf32, #tpu.memory_space<vmem>>, vector<1x1x16xf32>,
        %get3A_569 = vector.shape_cast %get3A_568 : vector<1x1x16xf32> to vector<16xf32>
        %add3A_570 = arith.addf %scan3A_522, %get3A_569 : vector<16xf32>
        %mul3A_571 = arith.constant 8 : i32
        %mul3A_572 = arith.muli %scan3A_518, %mul3A_571 : i32
        %add3A_573 = arith.constant 4 : i32
        %add3A_574 = arith.addi %mul3A_572, %add3A_573 : i32
        %get3A_575 = arith.constant 0 : i32
        %get3A_576 = arith.index_cast %get3A_575 : i32 to index
        %get3A_577 = arith.index_cast %add3A_574 : i32 to index
        %get3A_578 = arith.constant 0 : index
        %get3A_579 = tpu.vector_load %arg7[%get3A_576, %get3A_577, %get3A_578] {strides = array<i32>} : memref<4x200x16xf32, #tpu.memory_space<vmem>>, vector<1x1x16xf32>,
        %get3A_580 = vector.shape_cast %get3A_579 : vector<1x1x16xf32> to vector<16xf32>
        %add3A_581 = arith.addf %scan3A_523, %get3A_580 : vector<16xf32>
        %mul3A_582 = arith.constant 8 : i32
        %mul3A_583 = arith.muli %scan3A_518, %mul3A_582 : i32
        %add3A_584 = arith.constant 5 : i32
        %add3A_585 = arith.addi %mul3A_583, %add3A_584 : i32
        %get3A_586 = arith.constant 0 : i32
        %get3A_587 = arith.index_cast %get3A_586 : i32 to index
        %get3A_588 = arith.index_cast %add3A_585 : i32 to index
        %get3A_589 = arith.constant 0 : index
        %get3A_590 = tpu.vector_load %arg7[%get3A_587, %get3A_588, %get3A_589] {strides = array<i32>} : memref<4x200x16xf32, #tpu.memory_space<vmem>>, vector<1x1x16xf32>,
        %get3A_591 = vector.shape_cast %get3A_590 : vector<1x1x16xf32> to vector<16xf32>
        %add3A_592 = arith.addf %scan3A_524, %get3A_591 : vector<16xf32>
        %mul3A_593 = arith.constant 8 : i32
        %mul3A_594 = arith.muli %scan3A_518, %mul3A_593 : i32
        %add3A_595 = arith.constant 6 : i32
        %add3A_596 = arith.addi %mul3A_594, %add3A_595 : i32
        %get3A_597 = arith.constant 0 : i32
        %get3A_598 = arith.index_cast %get3A_597 : i32 to index
        %get3A_599 = arith.index_cast %add3A_596 : i32 to index
        %get3A_600 = arith.constant 0 : index
        %get3A_601 = tpu.vector_load %arg7[%get3A_598, %get3A_599, %get3A_600] {strides = array<i32>} : memref<4x200x16xf32, #tpu.memory_space<vmem>>, vector<1x1x16xf32>,
        %get3A_602 = vector.shape_cast %get3A_601 : vector<1x1x16xf32> to vector<16xf32>
        %add3A_603 = arith.addf %scan3A_525, %get3A_602 : vector<16xf32>
        %mul3A_604 = arith.constant 8 : i32
        %mul3A_605 = arith.muli %scan3A_518, %mul3A_604 : i32
        %add3A_606 = arith.constant 7 : i32
        %add3A_607 = arith.addi %mul3A_605, %add3A_606 : i32
        %get3A_608 = arith.constant 0 : i32
        %get3A_609 = arith.index_cast %get3A_608 : i32 to index
        %get3A_610 = arith.index_cast %add3A_607 : i32 to index
        %get3A_611 = arith.constant 0 : index
        %get3A_612 = tpu.vector_load %arg7[%get3A_609, %get3A_610, %get3A_611] {strides = array<i32>} : memref<4x200x16xf32, #tpu.memory_space<vmem>>, vector<1x1x16xf32>,
        %get3A_613 = vector.shape_cast %get3A_612 : vector<1x1x16xf32> to vector<16xf32>
        %add3A_614 = arith.addf %scan3A_526, %get3A_613 : vector<16xf32>
        scf.yield %add3A_537, %add3A_548, %add3A_559, %add3A_570, %add3A_581, %add3A_592, %add3A_603, %add3A_614 : vector<16xf32>, vector<16xf32>, vector<16xf32>, vector<16xf32>, vector<16xf32>, vector<16xf32>, vector<16xf32>, vector<16xf32>
      }
      %scan3A_183 = arith.constant 24 : i32
      %add3A_184 = arith.addf %scan3A_182#0, %scan3A_182#1 : vector<16xf32>
      %add3A_185 = arith.addf %scan3A_182#2, %scan3A_182#3 : vector<16xf32>
      %add3A_186 = arith.addf %add3A_184, %add3A_185 : vector<16xf32>
      %add3A_187 = arith.addf %scan3A_182#4, %scan3A_182#5 : vector<16xf32>
      %add3A_188 = arith.addf %scan3A_182#6, %scan3A_182#7 : vector<16xf32>
      %add3A_189 = arith.addf %add3A_187, %add3A_188 : vector<16xf32>
      %add3A_190 = arith.addf %add3A_186, %add3A_189 : vector<16xf32>
      %add3A_191 = arith.addf %add3A_190, %get3A_6 : vector<16xf32>
      %swap3A = arith.index_cast %add3A_102 : i32 to index
      %swap3A_192 = arith.constant 0 : index
      %swap3A_193 = tpu.vector_load %arg8[%swap3A, %swap3A_192] {strides = array<i32>} : memref<128x16xf32, #tpu.memory_space<vmem>>, vector<1x16xf32>,
      %swap3A_194 = vector.shape_cast %swap3A_193 : vector<1x16xf32> to vector<16xf32>
      %swap3A_195 = vector.shape_cast %add3A_191 : vector<16xf32> to vector<1x16xf32>
      tpu.vector_store %arg8[%swap3A, %swap3A_192], %swap3A_195 {strides = array<i32>} : memref<128x16xf32, #tpu.memory_space<vmem>>, vector<1x16xf32>,
      %add3A_196 = arith.constant 4 : i32
      %add3A_197 = arith.addi %add3A_102, %add3A_196 : i32
      %lt3A = arith.constant 128 : i32
      %lt3A_198 = arith.cmpi slt, %add3A_197, %lt3A : i32
      %convert_element_type3A = arith.extui %lt3A_198 : i1 to i32
      %cond3A = arith.constant 0 : i32
      %cond3A_199 = arith.cmpi ne, %convert_element_type3A, %cond3A : i32
      scf.if %cond3A_199 {
        %mul3A_518 = arith.constant 200 : i32
        %mul3A_519 = arith.muli %add3A_197, %mul3A_518 : i32
        %multiple_of3A_520 = tpu.assume_multiple %mul3A_519, 8 : i32
        %dma_start3A_521 = arith.constant 0 : i32
        %dma_start3A_522 = arith.constant 0 : i32
        %dma_start3A_523 = arith.constant 0 : i32
        %dma_start3A_524 = tpu.memref_slice %arg7[%dma_start3A_521, %dma_start3A_522, %dma_start3A_523] : memref<4x200x16xf32, #tpu.memory_space<vmem>> -> memref<1x104x16xf32, #tpu.memory_space<vmem>>
        %dma_start3A_525 = tpu.memref_squeeze %dma_start3A_524 : memref<1x104x16xf32, #tpu.memory_space<vmem>> -> memref<104x16xf32, #tpu.memory_space<vmem>>
        %dma_start3A_526 = tpu.memref_slice %arg6[%multiple_of3A_520] : memref<25600xi32, #tpu.memory_space<vmem>> -> memref<104xi32, #tpu.memory_space<vmem>>
        %dma_start3A_527 = arith.constant 0 : i32
        %dma_start3A_528 = arith.constant 0 : i32
        %dma_start3A_529 = tpu.memref_slice %arg3[%dma_start3A_527, %dma_start3A_528] : memref<100000x16xf32, #tpu.memory_space<hbm>> -> memref<100000x16xf32, #tpu.memory_space<hbm>>
        tpu.enqueue_indirect_dma source(%dma_start3A_529 : memref<100000x16xf32, #tpu.memory_space<hbm>>) target(%dma_start3A_525 : memref<104x16xf32, #tpu.memory_space<vmem>>) offsets(%dma_start3A_526 : memref<104xi32, #tpu.memory_space<vmem>>) semaphore(%arg10 : memref<!tpu.dma_semaphore, #tpu.memory_space<semaphore_mem>>)
        %mul3A_530 = arith.constant 200 : i32
        %mul3A_531 = arith.muli %add3A_197, %mul3A_530 : i32
        %add3A_532 = arith.constant 104 : i32
        %add3A_533 = arith.addi %mul3A_531, %add3A_532 : i32
        %multiple_of3A_534 = tpu.assume_multiple %add3A_533, 8 : i32
        %dma_start3A_535 = arith.constant 0 : i32
        %dma_start3A_536 = arith.constant 104 : i32
        %dma_start3A_537 = arith.constant 0 : i32
        %dma_start3A_538 = tpu.memref_slice %arg7[%dma_start3A_535, %dma_start3A_536, %dma_start3A_537] : memref<4x200x16xf32, #tpu.memory_space<vmem>> -> memref<1x96x16xf32, #tpu.memory_space<vmem>>
        %dma_start3A_539 = tpu.memref_squeeze %dma_start3A_538 : memref<1x96x16xf32, #tpu.memory_space<vmem>> -> memref<96x16xf32, #tpu.memory_space<vmem>>
        %dma_start3A_540 = tpu.memref_slice %arg6[%multiple_of3A_534] : memref<25600xi32, #tpu.memory_space<vmem>> -> memref<96xi32, #tpu.memory_space<vmem>>
        %dma_start3A_541 = arith.constant 0 : i32
        %dma_start3A_542 = arith.constant 0 : i32
        %dma_start3A_543 = tpu.memref_slice %arg3[%dma_start3A_541, %dma_start3A_542] : memref<100000x16xf32, #tpu.memory_space<hbm>> -> memref<100000x16xf32, #tpu.memory_space<hbm>>
        tpu.enqueue_indirect_dma source(%dma_start3A_543 : memref<100000x16xf32, #tpu.memory_space<hbm>>) target(%dma_start3A_539 : memref<96x16xf32, #tpu.memory_space<vmem>>) offsets(%dma_start3A_540 : memref<96xi32, #tpu.memory_space<vmem>>) semaphore(%arg10 : memref<!tpu.dma_semaphore, #tpu.memory_space<semaphore_mem>>)
      } else {
      }
      %mul3A_200 = arith.constant 4 : i32
      %mul3A_201 = arith.muli %scan3A_98, %mul3A_200 : i32
      %add3A_202 = arith.constant 1 : i32
      %add3A_203 = arith.addi %mul3A_201, %add3A_202 : i32
      %dma_wait3A_204 = arith.constant 1 : i32
      %dma_wait3A_205 = arith.constant 0 : i32
      %dma_wait3A_206 = arith.constant 0 : i32
      %dma_wait3A_207 = tpu.memref_slice %arg7[%dma_wait3A_204, %dma_wait3A_205, %dma_wait3A_206] : memref<4x200x16xf32, #tpu.memory_space<vmem>> -> memref<1x104x16xf32, #tpu.memory_space<vmem>>
      %dma_wait3A_208 = tpu.memref_squeeze %dma_wait3A_207 : memref<1x104x16xf32, #tpu.memory_space<vmem>> -> memref<104x16xf32, #tpu.memory_space<vmem>>
      %dma_wait3A_209 = arith.constant 0 : i32
      %dma_wait3A_210 = tpu.memref_slice %arg6[%dma_wait3A_209] : memref<25600xi32, #tpu.memory_space<vmem>> -> memref<104xi32, #tpu.memory_space<vmem>>
      %dma_wait3A_211 = arith.constant 0 : i32
      %dma_wait3A_212 = arith.constant 0 : i32
      %dma_wait3A_213 = tpu.memref_slice %arg3[%dma_wait3A_211, %dma_wait3A_212] : memref<100000x16xf32, #tpu.memory_space<hbm>> -> memref<100000x16xf32, #tpu.memory_space<hbm>>
      tpu.wait_indirect_dma semaphore(%arg11 : memref<!tpu.dma_semaphore, #tpu.memory_space<semaphore_mem>>) src(%dma_wait3A_213 : memref<100000x16xf32, #tpu.memory_space<hbm>>) dst(%dma_wait3A_208 : memref<104x16xf32, #tpu.memory_space<vmem>>)
      %dma_wait3A_214 = arith.constant 1 : i32
      %dma_wait3A_215 = arith.constant 104 : i32
      %dma_wait3A_216 = arith.constant 0 : i32
      %dma_wait3A_217 = tpu.memref_slice %arg7[%dma_wait3A_214, %dma_wait3A_215, %dma_wait3A_216] : memref<4x200x16xf32, #tpu.memory_space<vmem>> -> memref<1x96x16xf32, #tpu.memory_space<vmem>>
      %dma_wait3A_218 = tpu.memref_squeeze %dma_wait3A_217 : memref<1x96x16xf32, #tpu.memory_space<vmem>> -> memref<96x16xf32, #tpu.memory_space<vmem>>
      %dma_wait3A_219 = arith.constant 0 : i32
      %dma_wait3A_220 = tpu.memref_slice %arg6[%dma_wait3A_219] : memref<25600xi32, #tpu.memory_space<vmem>> -> memref<96xi32, #tpu.memory_space<vmem>>
      %dma_wait3A_221 = arith.constant 0 : i32
      %dma_wait3A_222 = arith.constant 0 : i32
      %dma_wait3A_223 = tpu.memref_slice %arg3[%dma_wait3A_221, %dma_wait3A_222] : memref<100000x16xf32, #tpu.memory_space<hbm>> -> memref<100000x16xf32, #tpu.memory_space<hbm>>
      tpu.wait_indirect_dma semaphore(%arg11 : memref<!tpu.dma_semaphore, #tpu.memory_space<semaphore_mem>>) src(%dma_wait3A_223 : memref<100000x16xf32, #tpu.memory_space<hbm>>) dst(%dma_wait3A_218 : memref<96x16xf32, #tpu.memory_space<vmem>>)
      %get3A_224 = arith.constant 1 : i32
      %get3A_225 = arith.constant 0 : i32
      %get3A_226 = arith.index_cast %get3A_224 : i32 to index
      %get3A_227 = arith.index_cast %get3A_225 : i32 to index
      %get3A_228 = arith.constant 0 : index
      %get3A_229 = tpu.vector_load %arg7[%get3A_226, %get3A_227, %get3A_228] {strides = array<i32>} : memref<4x200x16xf32, #tpu.memory_space<vmem>>, vector<1x1x16xf32>,
      %get3A_230 = vector.shape_cast %get3A_229 : vector<1x1x16xf32> to vector<16xf32>
      %get3A_231 = arith.constant 1 : i32
      %get3A_232 = arith.constant 1 : i32
      %get3A_233 = arith.index_cast %get3A_231 : i32 to index
      %get3A_234 = arith.index_cast %get3A_232 : i32 to index
      %get3A_235 = arith.constant 0 : index
      %get3A_236 = tpu.vector_load %arg7[%get3A_233, %get3A_234, %get3A_235] {strides = array<i32>} : memref<4x200x16xf32, #tpu.memory_space<vmem>>, vector<1x1x16xf32>,
      %get3A_237 = vector.shape_cast %get3A_236 : vector<1x1x16xf32> to vector<16xf32>
      %get3A_238 = arith.constant 1 : i32
      %get3A_239 = arith.constant 2 : i32
      %get3A_240 = arith.index_cast %get3A_238 : i32 to index
      %get3A_241 = arith.index_cast %get3A_239 : i32 to index
      %get3A_242 = arith.constant 0 : index
      %get3A_243 = tpu.vector_load %arg7[%get3A_240, %get3A_241, %get3A_242] {strides = array<i32>} : memref<4x200x16xf32, #tpu.memory_space<vmem>>, vector<1x1x16xf32>,
      %get3A_244 = vector.shape_cast %get3A_243 : vector<1x1x16xf32> to vector<16xf32>
      %get3A_245 = arith.constant 1 : i32
      %get3A_246 = arith.constant 3 : i32
      %get3A_247 = arith.index_cast %get3A_245 : i32 to index
      %get3A_248 = arith.index_cast %get3A_246 : i32 to index
      %get3A_249 = arith.constant 0 : index
      %get3A_250 = tpu.vector_load %arg7[%get3A_247, %get3A_248, %get3A_249] {strides = array<i32>} : memref<4x200x16xf32, #tpu.memory_space<vmem>>, vector<1x1x16xf32>,
      %get3A_251 = vector.shape_cast %get3A_250 : vector<1x1x16xf32> to vector<16xf32>
      %get3A_252 = arith.constant 1 : i32
      %get3A_253 = arith.constant 4 : i32
      %get3A_254 = arith.index_cast %get3A_252 : i32 to index
      %get3A_255 = arith.index_cast %get3A_253 : i32 to index
      %get3A_256 = arith.constant 0 : index
      %get3A_257 = tpu.vector_load %arg7[%get3A_254, %get3A_255, %get3A_256] {strides = array<i32>} : memref<4x200x16xf32, #tpu.memory_space<vmem>>, vector<1x1x16xf32>,
      %get3A_258 = vector.shape_cast %get3A_257 : vector<1x1x16xf32> to vector<16xf32>
      %get3A_259 = arith.constant 1 : i32
      %get3A_260 = arith.constant 5 : i32
      %get3A_261 = arith.index_cast %get3A_259 : i32 to index
      %get3A_262 = arith.index_cast %get3A_260 : i32 to index
      %get3A_263 = arith.constant 0 : index
      %get3A_264 = tpu.vector_load %arg7[%get3A_261, %get3A_262, %get3A_263] {strides = array<i32>} : memref<4x200x16xf32, #tpu.memory_space<vmem>>, vector<1x1x16xf32>,
      %get3A_265 = vector.shape_cast %get3A_264 : vector<1x1x16xf32> to vector<16xf32>
      %get3A_266 = arith.constant 1 : i32
      %get3A_267 = arith.constant 6 : i32
      %get3A_268 = arith.index_cast %get3A_266 : i32 to index
      %get3A_269 = arith.index_cast %get3A_267 : i32 to index
      %get3A_270 = arith.constant 0 : index
      %get3A_271 = tpu.vector_load %arg7[%get3A_268, %get3A_269, %get3A_270] {strides = array<i32>} : memref<4x200x16xf32, #tpu.memory_space<vmem>>, vector<1x1x16xf32>,
      %get3A_272 = vector.shape_cast %get3A_271 : vector<1x1x16xf32> to vector<16xf32>
      %get3A_273 = arith.constant 1 : i32
      %get3A_274 = arith.constant 7 : i32
      %get3A_275 = arith.index_cast %get3A_273 : i32 to index
      %get3A_276 = arith.index_cast %get3A_274 : i32 to index
      %get3A_277 = arith.constant 0 : index
      %get3A_278 = tpu.vector_load %arg7[%get3A_275, %get3A_276, %get3A_277] {strides = array<i32>} : memref<4x200x16xf32, #tpu.memory_space<vmem>>, vector<1x1x16xf32>,
      %get3A_279 = vector.shape_cast %get3A_278 : vector<1x1x16xf32> to vector<16xf32>
      %scan3A_280 = arith.constant 1 : i32
      %scan3A_281 = arith.constant 24 : i32
      %scan3A_282 = arith.addi %scan3A_280, %scan3A_281 : i32
      %scan3A_283 = arith.constant 1 : i32
      %scan3A_284:8 = scf.for %scan3A_518 = %scan3A_280 to %scan3A_282 step %scan3A_283 iter_args(%scan3A_519 = %get3A_230, %scan3A_520 = %get3A_237, %scan3A_521 = %get3A_244, %scan3A_522 = %get3A_251, %scan3A_523 = %get3A_258, %scan3A_524 = %get3A_265, %scan3A_525 = %get3A_272, %scan3A_526 = %get3A_279) -> (vector<16xf32>, vector<16xf32>, vector<16xf32>, vector<16xf32>, vector<16xf32>, vector<16xf32>, vector<16xf32>, vector<16xf32>)  : i32 {
        %mul3A_527 = arith.constant 8 : i32
        %mul3A_528 = arith.muli %scan3A_518, %mul3A_527 : i32
        %add3A_529 = arith.constant 0 : i32
        %add3A_530 = arith.addi %mul3A_528, %add3A_529 : i32
        %get3A_531 = arith.constant 1 : i32
        %get3A_532 = arith.index_cast %get3A_531 : i32 to index
        %get3A_533 = arith.index_cast %add3A_530 : i32 to index
        %get3A_534 = arith.constant 0 : index
        %get3A_535 = tpu.vector_load %arg7[%get3A_532, %get3A_533, %get3A_534] {strides = array<i32>} : memref<4x200x16xf32, #tpu.memory_space<vmem>>, vector<1x1x16xf32>,
        %get3A_536 = vector.shape_cast %get3A_535 : vector<1x1x16xf32> to vector<16xf32>
        %add3A_537 = arith.addf %scan3A_519, %get3A_536 : vector<16xf32>
        %mul3A_538 = arith.constant 8 : i32
        %mul3A_539 = arith.muli %scan3A_518, %mul3A_538 : i32
        %add3A_540 = arith.constant 1 : i32
        %add3A_541 = arith.addi %mul3A_539, %add3A_540 : i32
        %get3A_542 = arith.constant 1 : i32
        %get3A_543 = arith.index_cast %get3A_542 : i32 to index
        %get3A_544 = arith.index_cast %add3A_541 : i32 to index
        %get3A_545 = arith.constant 0 : index
        %get3A_546 = tpu.vector_load %arg7[%get3A_543, %get3A_544, %get3A_545] {strides = array<i32>} : memref<4x200x16xf32, #tpu.memory_space<vmem>>, vector<1x1x16xf32>,
        %get3A_547 = vector.shape_cast %get3A_546 : vector<1x1x16xf32> to vector<16xf32>
        %add3A_548 = arith.addf %scan3A_520, %get3A_547 : vector<16xf32>
        %mul3A_549 = arith.constant 8 : i32
        %mul3A_550 = arith.muli %scan3A_518, %mul3A_549 : i32
        %add3A_551 = arith.constant 2 : i32
        %add3A_552 = arith.addi %mul3A_550, %add3A_551 : i32
        %get3A_553 = arith.constant 1 : i32
        %get3A_554 = arith.index_cast %get3A_553 : i32 to index
        %get3A_555 = arith.index_cast %add3A_552 : i32 to index
        %get3A_556 = arith.constant 0 : index
        %get3A_557 = tpu.vector_load %arg7[%get3A_554, %get3A_555, %get3A_556] {strides = array<i32>} : memref<4x200x16xf32, #tpu.memory_space<vmem>>, vector<1x1x16xf32>,
        %get3A_558 = vector.shape_cast %get3A_557 : vector<1x1x16xf32> to vector<16xf32>
        %add3A_559 = arith.addf %scan3A_521, %get3A_558 : vector<16xf32>
        %mul3A_560 = arith.constant 8 : i32
        %mul3A_561 = arith.muli %scan3A_518, %mul3A_560 : i32
        %add3A_562 = arith.constant 3 : i32
        %add3A_563 = arith.addi %mul3A_561, %add3A_562 : i32
        %get3A_564 = arith.constant 1 : i32
        %get3A_565 = arith.index_cast %get3A_564 : i32 to index
        %get3A_566 = arith.index_cast %add3A_563 : i32 to index
        %get3A_567 = arith.constant 0 : index
        %get3A_568 = tpu.vector_load %arg7[%get3A_565, %get3A_566, %get3A_567] {strides = array<i32>} : memref<4x200x16xf32, #tpu.memory_space<vmem>>, vector<1x1x16xf32>,
        %get3A_569 = vector.shape_cast %get3A_568 : vector<1x1x16xf32> to vector<16xf32>
        %add3A_570 = arith.addf %scan3A_522, %get3A_569 : vector<16xf32>
        %mul3A_571 = arith.constant 8 : i32
        %mul3A_572 = arith.muli %scan3A_518, %mul3A_571 : i32
        %add3A_573 = arith.constant 4 : i32
        %add3A_574 = arith.addi %mul3A_572, %add3A_573 : i32
        %get3A_575 = arith.constant 1 : i32
        %get3A_576 = arith.index_cast %get3A_575 : i32 to index
        %get3A_577 = arith.index_cast %add3A_574 : i32 to index
        %get3A_578 = arith.constant 0 : index
        %get3A_579 = tpu.vector_load %arg7[%get3A_576, %get3A_577, %get3A_578] {strides = array<i32>} : memref<4x200x16xf32, #tpu.memory_space<vmem>>, vector<1x1x16xf32>,
        %get3A_580 = vector.shape_cast %get3A_579 : vector<1x1x16xf32> to vector<16xf32>
        %add3A_581 = arith.addf %scan3A_523, %get3A_580 : vector<16xf32>
        %mul3A_582 = arith.constant 8 : i32
        %mul3A_583 = arith.muli %scan3A_518, %mul3A_582 : i32
        %add3A_584 = arith.constant 5 : i32
        %add3A_585 = arith.addi %mul3A_583, %add3A_584 : i32
        %get3A_586 = arith.constant 1 : i32
        %get3A_587 = arith.index_cast %get3A_586 : i32 to index
        %get3A_588 = arith.index_cast %add3A_585 : i32 to index
        %get3A_589 = arith.constant 0 : index
        %get3A_590 = tpu.vector_load %arg7[%get3A_587, %get3A_588, %get3A_589] {strides = array<i32>} : memref<4x200x16xf32, #tpu.memory_space<vmem>>, vector<1x1x16xf32>,
        %get3A_591 = vector.shape_cast %get3A_590 : vector<1x1x16xf32> to vector<16xf32>
        %add3A_592 = arith.addf %scan3A_524, %get3A_591 : vector<16xf32>
        %mul3A_593 = arith.constant 8 : i32
        %mul3A_594 = arith.muli %scan3A_518, %mul3A_593 : i32
        %add3A_595 = arith.constant 6 : i32
        %add3A_596 = arith.addi %mul3A_594, %add3A_595 : i32
        %get3A_597 = arith.constant 1 : i32
        %get3A_598 = arith.index_cast %get3A_597 : i32 to index
        %get3A_599 = arith.index_cast %add3A_596 : i32 to index
        %get3A_600 = arith.constant 0 : index
        %get3A_601 = tpu.vector_load %arg7[%get3A_598, %get3A_599, %get3A_600] {strides = array<i32>} : memref<4x200x16xf32, #tpu.memory_space<vmem>>, vector<1x1x16xf32>,
        %get3A_602 = vector.shape_cast %get3A_601 : vector<1x1x16xf32> to vector<16xf32>
        %add3A_603 = arith.addf %scan3A_525, %get3A_602 : vector<16xf32>
        %mul3A_604 = arith.constant 8 : i32
        %mul3A_605 = arith.muli %scan3A_518, %mul3A_604 : i32
        %add3A_606 = arith.constant 7 : i32
        %add3A_607 = arith.addi %mul3A_605, %add3A_606 : i32
        %get3A_608 = arith.constant 1 : i32
        %get3A_609 = arith.index_cast %get3A_608 : i32 to index
        %get3A_610 = arith.index_cast %add3A_607 : i32 to index
        %get3A_611 = arith.constant 0 : index
        %get3A_612 = tpu.vector_load %arg7[%get3A_609, %get3A_610, %get3A_611] {strides = array<i32>} : memref<4x200x16xf32, #tpu.memory_space<vmem>>, vector<1x1x16xf32>,
        %get3A_613 = vector.shape_cast %get3A_612 : vector<1x1x16xf32> to vector<16xf32>
        %add3A_614 = arith.addf %scan3A_526, %get3A_613 : vector<16xf32>
        scf.yield %add3A_537, %add3A_548, %add3A_559, %add3A_570, %add3A_581, %add3A_592, %add3A_603, %add3A_614 : vector<16xf32>, vector<16xf32>, vector<16xf32>, vector<16xf32>, vector<16xf32>, vector<16xf32>, vector<16xf32>, vector<16xf32>
      }
      %scan3A_285 = arith.constant 24 : i32
      %add3A_286 = arith.addf %scan3A_284#0, %scan3A_284#1 : vector<16xf32>
      %add3A_287 = arith.addf %scan3A_284#2, %scan3A_284#3 : vector<16xf32>
      %add3A_288 = arith.addf %add3A_286, %add3A_287 : vector<16xf32>
      %add3A_289 = arith.addf %scan3A_284#4, %scan3A_284#5 : vector<16xf32>
      %add3A_290 = arith.addf %scan3A_284#6, %scan3A_284#7 : vector<16xf32>
      %add3A_291 = arith.addf %add3A_289, %add3A_290 : vector<16xf32>
      %add3A_292 = arith.addf %add3A_288, %add3A_291 : vector<16xf32>
      %add3A_293 = arith.addf %add3A_292, %get3A_6 : vector<16xf32>
      %swap3A_294 = arith.index_cast %add3A_203 : i32 to index
      %swap3A_295 = arith.constant 0 : index
      %swap3A_296 = tpu.vector_load %arg8[%swap3A_294, %swap3A_295] {strides = array<i32>} : memref<128x16xf32, #tpu.memory_space<vmem>>, vector<1x16xf32>,
      %swap3A_297 = vector.shape_cast %swap3A_296 : vector<1x16xf32> to vector<16xf32>
      %swap3A_298 = vector.shape_cast %add3A_293 : vector<16xf32> to vector<1x16xf32>
      tpu.vector_store %arg8[%swap3A_294, %swap3A_295], %swap3A_298 {strides = array<i32>} : memref<128x16xf32, #tpu.memory_space<vmem>>, vector<1x16xf32>,
      %add3A_299 = arith.constant 4 : i32
      %add3A_300 = arith.addi %add3A_203, %add3A_299 : i32
      %lt3A_301 = arith.constant 128 : i32
      %lt3A_302 = arith.cmpi slt, %add3A_300, %lt3A_301 : i32
      %convert_element_type3A_303 = arith.extui %lt3A_302 : i1 to i32
      %cond3A_304 = arith.constant 0 : i32
      %cond3A_305 = arith.cmpi ne, %convert_element_type3A_303, %cond3A_304 : i32
      scf.if %cond3A_305 {
        %mul3A_518 = arith.constant 200 : i32
        %mul3A_519 = arith.muli %add3A_300, %mul3A_518 : i32
        %multiple_of3A_520 = tpu.assume_multiple %mul3A_519, 8 : i32
        %dma_start3A_521 = arith.constant 1 : i32
        %dma_start3A_522 = arith.constant 0 : i32
        %dma_start3A_523 = arith.constant 0 : i32
        %dma_start3A_524 = tpu.memref_slice %arg7[%dma_start3A_521, %dma_start3A_522, %dma_start3A_523] : memref<4x200x16xf32, #tpu.memory_space<vmem>> -> memref<1x104x16xf32, #tpu.memory_space<vmem>>
        %dma_start3A_525 = tpu.memref_squeeze %dma_start3A_524 : memref<1x104x16xf32, #tpu.memory_space<vmem>> -> memref<104x16xf32, #tpu.memory_space<vmem>>
        %dma_start3A_526 = tpu.memref_slice %arg6[%multiple_of3A_520] : memref<25600xi32, #tpu.memory_space<vmem>> -> memref<104xi32, #tpu.memory_space<vmem>>
        %dma_start3A_527 = arith.constant 0 : i32
        %dma_start3A_528 = arith.constant 0 : i32
        %dma_start3A_529 = tpu.memref_slice %arg3[%dma_start3A_527, %dma_start3A_528] : memref<100000x16xf32, #tpu.memory_space<hbm>> -> memref<100000x16xf32, #tpu.memory_space<hbm>>
        tpu.enqueue_indirect_dma source(%dma_start3A_529 : memref<100000x16xf32, #tpu.memory_space<hbm>>) target(%dma_start3A_525 : memref<104x16xf32, #tpu.memory_space<vmem>>) offsets(%dma_start3A_526 : memref<104xi32, #tpu.memory_space<vmem>>) semaphore(%arg11 : memref<!tpu.dma_semaphore, #tpu.memory_space<semaphore_mem>>)
        %mul3A_530 = arith.constant 200 : i32
        %mul3A_531 = arith.muli %add3A_300, %mul3A_530 : i32
        %add3A_532 = arith.constant 104 : i32
        %add3A_533 = arith.addi %mul3A_531, %add3A_532 : i32
        %multiple_of3A_534 = tpu.assume_multiple %add3A_533, 8 : i32
        %dma_start3A_535 = arith.constant 1 : i32
        %dma_start3A_536 = arith.constant 104 : i32
        %dma_start3A_537 = arith.constant 0 : i32
        %dma_start3A_538 = tpu.memref_slice %arg7[%dma_start3A_535, %dma_start3A_536, %dma_start3A_537] : memref<4x200x16xf32, #tpu.memory_space<vmem>> -> memref<1x96x16xf32, #tpu.memory_space<vmem>>
        %dma_start3A_539 = tpu.memref_squeeze %dma_start3A_538 : memref<1x96x16xf32, #tpu.memory_space<vmem>> -> memref<96x16xf32, #tpu.memory_space<vmem>>
        %dma_start3A_540 = tpu.memref_slice %arg6[%multiple_of3A_534] : memref<25600xi32, #tpu.memory_space<vmem>> -> memref<96xi32, #tpu.memory_space<vmem>>
        %dma_start3A_541 = arith.constant 0 : i32
        %dma_start3A_542 = arith.constant 0 : i32
        %dma_start3A_543 = tpu.memref_slice %arg3[%dma_start3A_541, %dma_start3A_542] : memref<100000x16xf32, #tpu.memory_space<hbm>> -> memref<100000x16xf32, #tpu.memory_space<hbm>>
        tpu.enqueue_indirect_dma source(%dma_start3A_543 : memref<100000x16xf32, #tpu.memory_space<hbm>>) target(%dma_start3A_539 : memref<96x16xf32, #tpu.memory_space<vmem>>) offsets(%dma_start3A_540 : memref<96xi32, #tpu.memory_space<vmem>>) semaphore(%arg11 : memref<!tpu.dma_semaphore, #tpu.memory_space<semaphore_mem>>)
      } else {
      }
      %mul3A_306 = arith.constant 4 : i32
      %mul3A_307 = arith.muli %scan3A_98, %mul3A_306 : i32
      %add3A_308 = arith.constant 2 : i32
      %add3A_309 = arith.addi %mul3A_307, %add3A_308 : i32
      %dma_wait3A_310 = arith.constant 2 : i32
      %dma_wait3A_311 = arith.constant 0 : i32
      %dma_wait3A_312 = arith.constant 0 : i32
      %dma_wait3A_313 = tpu.memref_slice %arg7[%dma_wait3A_310, %dma_wait3A_311, %dma_wait3A_312] : memref<4x200x16xf32, #tpu.memory_space<vmem>> -> memref<1x104x16xf32, #tpu.memory_space<vmem>>
      %dma_wait3A_314 = tpu.memref_squeeze %dma_wait3A_313 : memref<1x104x16xf32, #tpu.memory_space<vmem>> -> memref<104x16xf32, #tpu.memory_space<vmem>>
      %dma_wait3A_315 = arith.constant 0 : i32
      %dma_wait3A_316 = tpu.memref_slice %arg6[%dma_wait3A_315] : memref<25600xi32, #tpu.memory_space<vmem>> -> memref<104xi32, #tpu.memory_space<vmem>>
      %dma_wait3A_317 = arith.constant 0 : i32
      %dma_wait3A_318 = arith.constant 0 : i32
      %dma_wait3A_319 = tpu.memref_slice %arg3[%dma_wait3A_317, %dma_wait3A_318] : memref<100000x16xf32, #tpu.memory_space<hbm>> -> memref<100000x16xf32, #tpu.memory_space<hbm>>
      tpu.wait_indirect_dma semaphore(%arg12 : memref<!tpu.dma_semaphore, #tpu.memory_space<semaphore_mem>>) src(%dma_wait3A_319 : memref<100000x16xf32, #tpu.memory_space<hbm>>) dst(%dma_wait3A_314 : memref<104x16xf32, #tpu.memory_space<vmem>>)
      %dma_wait3A_320 = arith.constant 2 : i32
      %dma_wait3A_321 = arith.constant 104 : i32
      %dma_wait3A_322 = arith.constant 0 : i32
      %dma_wait3A_323 = tpu.memref_slice %arg7[%dma_wait3A_320, %dma_wait3A_321, %dma_wait3A_322] : memref<4x200x16xf32, #tpu.memory_space<vmem>> -> memref<1x96x16xf32, #tpu.memory_space<vmem>>
      %dma_wait3A_324 = tpu.memref_squeeze %dma_wait3A_323 : memref<1x96x16xf32, #tpu.memory_space<vmem>> -> memref<96x16xf32, #tpu.memory_space<vmem>>
      %dma_wait3A_325 = arith.constant 0 : i32
      %dma_wait3A_326 = tpu.memref_slice %arg6[%dma_wait3A_325] : memref<25600xi32, #tpu.memory_space<vmem>> -> memref<96xi32, #tpu.memory_space<vmem>>
      %dma_wait3A_327 = arith.constant 0 : i32
      %dma_wait3A_328 = arith.constant 0 : i32
      %dma_wait3A_329 = tpu.memref_slice %arg3[%dma_wait3A_327, %dma_wait3A_328] : memref<100000x16xf32, #tpu.memory_space<hbm>> -> memref<100000x16xf32, #tpu.memory_space<hbm>>
      tpu.wait_indirect_dma semaphore(%arg12 : memref<!tpu.dma_semaphore, #tpu.memory_space<semaphore_mem>>) src(%dma_wait3A_329 : memref<100000x16xf32, #tpu.memory_space<hbm>>) dst(%dma_wait3A_324 : memref<96x16xf32, #tpu.memory_space<vmem>>)
      %get3A_330 = arith.constant 2 : i32
      %get3A_331 = arith.constant 0 : i32
      %get3A_332 = arith.index_cast %get3A_330 : i32 to index
      %get3A_333 = arith.index_cast %get3A_331 : i32 to index
      %get3A_334 = arith.constant 0 : index
      %get3A_335 = tpu.vector_load %arg7[%get3A_332, %get3A_333, %get3A_334] {strides = array<i32>} : memref<4x200x16xf32, #tpu.memory_space<vmem>>, vector<1x1x16xf32>,
      %get3A_336 = vector.shape_cast %get3A_335 : vector<1x1x16xf32> to vector<16xf32>
      %get3A_337 = arith.constant 2 : i32
      %get3A_338 = arith.constant 1 : i32
      %get3A_339 = arith.index_cast %get3A_337 : i32 to index
      %get3A_340 = arith.index_cast %get3A_338 : i32 to index
      %get3A_341 = arith.constant 0 : index
      %get3A_342 = tpu.vector_load %arg7[%get3A_339, %get3A_340, %get3A_341] {strides = array<i32>} : memref<4x200x16xf32, #tpu.memory_space<vmem>>, vector<1x1x16xf32>,
      %get3A_343 = vector.shape_cast %get3A_342 : vector<1x1x16xf32> to vector<16xf32>
      %get3A_344 = arith.constant 2 : i32
      %get3A_345 = arith.constant 2 : i32
      %get3A_346 = arith.index_cast %get3A_344 : i32 to index
      %get3A_347 = arith.index_cast %get3A_345 : i32 to index
      %get3A_348 = arith.constant 0 : index
      %get3A_349 = tpu.vector_load %arg7[%get3A_346, %get3A_347, %get3A_348] {strides = array<i32>} : memref<4x200x16xf32, #tpu.memory_space<vmem>>, vector<1x1x16xf32>,
      %get3A_350 = vector.shape_cast %get3A_349 : vector<1x1x16xf32> to vector<16xf32>
      %get3A_351 = arith.constant 2 : i32
      %get3A_352 = arith.constant 3 : i32
      %get3A_353 = arith.index_cast %get3A_351 : i32 to index
      %get3A_354 = arith.index_cast %get3A_352 : i32 to index
      %get3A_355 = arith.constant 0 : index
      %get3A_356 = tpu.vector_load %arg7[%get3A_353, %get3A_354, %get3A_355] {strides = array<i32>} : memref<4x200x16xf32, #tpu.memory_space<vmem>>, vector<1x1x16xf32>,
      %get3A_357 = vector.shape_cast %get3A_356 : vector<1x1x16xf32> to vector<16xf32>
      %get3A_358 = arith.constant 2 : i32
      %get3A_359 = arith.constant 4 : i32
      %get3A_360 = arith.index_cast %get3A_358 : i32 to index
      %get3A_361 = arith.index_cast %get3A_359 : i32 to index
      %get3A_362 = arith.constant 0 : index
      %get3A_363 = tpu.vector_load %arg7[%get3A_360, %get3A_361, %get3A_362] {strides = array<i32>} : memref<4x200x16xf32, #tpu.memory_space<vmem>>, vector<1x1x16xf32>,
      %get3A_364 = vector.shape_cast %get3A_363 : vector<1x1x16xf32> to vector<16xf32>
      %get3A_365 = arith.constant 2 : i32
      %get3A_366 = arith.constant 5 : i32
      %get3A_367 = arith.index_cast %get3A_365 : i32 to index
      %get3A_368 = arith.index_cast %get3A_366 : i32 to index
      %get3A_369 = arith.constant 0 : index
      %get3A_370 = tpu.vector_load %arg7[%get3A_367, %get3A_368, %get3A_369] {strides = array<i32>} : memref<4x200x16xf32, #tpu.memory_space<vmem>>, vector<1x1x16xf32>,
      %get3A_371 = vector.shape_cast %get3A_370 : vector<1x1x16xf32> to vector<16xf32>
      %get3A_372 = arith.constant 2 : i32
      %get3A_373 = arith.constant 6 : i32
      %get3A_374 = arith.index_cast %get3A_372 : i32 to index
      %get3A_375 = arith.index_cast %get3A_373 : i32 to index
      %get3A_376 = arith.constant 0 : index
      %get3A_377 = tpu.vector_load %arg7[%get3A_374, %get3A_375, %get3A_376] {strides = array<i32>} : memref<4x200x16xf32, #tpu.memory_space<vmem>>, vector<1x1x16xf32>,
      %get3A_378 = vector.shape_cast %get3A_377 : vector<1x1x16xf32> to vector<16xf32>
      %get3A_379 = arith.constant 2 : i32
      %get3A_380 = arith.constant 7 : i32
      %get3A_381 = arith.index_cast %get3A_379 : i32 to index
      %get3A_382 = arith.index_cast %get3A_380 : i32 to index
      %get3A_383 = arith.constant 0 : index
      %get3A_384 = tpu.vector_load %arg7[%get3A_381, %get3A_382, %get3A_383] {strides = array<i32>} : memref<4x200x16xf32, #tpu.memory_space<vmem>>, vector<1x1x16xf32>,
      %get3A_385 = vector.shape_cast %get3A_384 : vector<1x1x16xf32> to vector<16xf32>
      %scan3A_386 = arith.constant 1 : i32
      %scan3A_387 = arith.constant 24 : i32
      %scan3A_388 = arith.addi %scan3A_386, %scan3A_387 : i32
      %scan3A_389 = arith.constant 1 : i32
      %scan3A_390:8 = scf.for %scan3A_518 = %scan3A_386 to %scan3A_388 step %scan3A_389 iter_args(%scan3A_519 = %get3A_336, %scan3A_520 = %get3A_343, %scan3A_521 = %get3A_350, %scan3A_522 = %get3A_357, %scan3A_523 = %get3A_364, %scan3A_524 = %get3A_371, %scan3A_525 = %get3A_378, %scan3A_526 = %get3A_385) -> (vector<16xf32>, vector<16xf32>, vector<16xf32>, vector<16xf32>, vector<16xf32>, vector<16xf32>, vector<16xf32>, vector<16xf32>)  : i32 {
        %mul3A_527 = arith.constant 8 : i32
        %mul3A_528 = arith.muli %scan3A_518, %mul3A_527 : i32
        %add3A_529 = arith.constant 0 : i32
        %add3A_530 = arith.addi %mul3A_528, %add3A_529 : i32
        %get3A_531 = arith.constant 2 : i32
        %get3A_532 = arith.index_cast %get3A_531 : i32 to index
        %get3A_533 = arith.index_cast %add3A_530 : i32 to index
        %get3A_534 = arith.constant 0 : index
        %get3A_535 = tpu.vector_load %arg7[%get3A_532, %get3A_533, %get3A_534] {strides = array<i32>} : memref<4x200x16xf32, #tpu.memory_space<vmem>>, vector<1x1x16xf32>,
        %get3A_536 = vector.shape_cast %get3A_535 : vector<1x1x16xf32> to vector<16xf32>
        %add3A_537 = arith.addf %scan3A_519, %get3A_536 : vector<16xf32>
        %mul3A_538 = arith.constant 8 : i32
        %mul3A_539 = arith.muli %scan3A_518, %mul3A_538 : i32
        %add3A_540 = arith.constant 1 : i32
        %add3A_541 = arith.addi %mul3A_539, %add3A_540 : i32
        %get3A_542 = arith.constant 2 : i32
        %get3A_543 = arith.index_cast %get3A_542 : i32 to index
        %get3A_544 = arith.index_cast %add3A_541 : i32 to index
        %get3A_545 = arith.constant 0 : index
        %get3A_546 = tpu.vector_load %arg7[%get3A_543, %get3A_544, %get3A_545] {strides = array<i32>} : memref<4x200x16xf32, #tpu.memory_space<vmem>>, vector<1x1x16xf32>,
        %get3A_547 = vector.shape_cast %get3A_546 : vector<1x1x16xf32> to vector<16xf32>
        %add3A_548 = arith.addf %scan3A_520, %get3A_547 : vector<16xf32>
        %mul3A_549 = arith.constant 8 : i32
        %mul3A_550 = arith.muli %scan3A_518, %mul3A_549 : i32
        %add3A_551 = arith.constant 2 : i32
        %add3A_552 = arith.addi %mul3A_550, %add3A_551 : i32
        %get3A_553 = arith.constant 2 : i32
        %get3A_554 = arith.index_cast %get3A_553 : i32 to index
        %get3A_555 = arith.index_cast %add3A_552 : i32 to index
        %get3A_556 = arith.constant 0 : index
        %get3A_557 = tpu.vector_load %arg7[%get3A_554, %get3A_555, %get3A_556] {strides = array<i32>} : memref<4x200x16xf32, #tpu.memory_space<vmem>>, vector<1x1x16xf32>,
        %get3A_558 = vector.shape_cast %get3A_557 : vector<1x1x16xf32> to vector<16xf32>
        %add3A_559 = arith.addf %scan3A_521, %get3A_558 : vector<16xf32>
        %mul3A_560 = arith.constant 8 : i32
        %mul3A_561 = arith.muli %scan3A_518, %mul3A_560 : i32
        %add3A_562 = arith.constant 3 : i32
        %add3A_563 = arith.addi %mul3A_561, %add3A_562 : i32
        %get3A_564 = arith.constant 2 : i32
        %get3A_565 = arith.index_cast %get3A_564 : i32 to index
        %get3A_566 = arith.index_cast %add3A_563 : i32 to index
        %get3A_567 = arith.constant 0 : index
        %get3A_568 = tpu.vector_load %arg7[%get3A_565, %get3A_566, %get3A_567] {strides = array<i32>} : memref<4x200x16xf32, #tpu.memory_space<vmem>>, vector<1x1x16xf32>,
        %get3A_569 = vector.shape_cast %get3A_568 : vector<1x1x16xf32> to vector<16xf32>
        %add3A_570 = arith.addf %scan3A_522, %get3A_569 : vector<16xf32>
        %mul3A_571 = arith.constant 8 : i32
        %mul3A_572 = arith.muli %scan3A_518, %mul3A_571 : i32
        %add3A_573 = arith.constant 4 : i32
        %add3A_574 = arith.addi %mul3A_572, %add3A_573 : i32
        %get3A_575 = arith.constant 2 : i32
        %get3A_576 = arith.index_cast %get3A_575 : i32 to index
        %get3A_577 = arith.index_cast %add3A_574 : i32 to index
        %get3A_578 = arith.constant 0 : index
        %get3A_579 = tpu.vector_load %arg7[%get3A_576, %get3A_577, %get3A_578] {strides = array<i32>} : memref<4x200x16xf32, #tpu.memory_space<vmem>>, vector<1x1x16xf32>,
        %get3A_580 = vector.shape_cast %get3A_579 : vector<1x1x16xf32> to vector<16xf32>
        %add3A_581 = arith.addf %scan3A_523, %get3A_580 : vector<16xf32>
        %mul3A_582 = arith.constant 8 : i32
        %mul3A_583 = arith.muli %scan3A_518, %mul3A_582 : i32
        %add3A_584 = arith.constant 5 : i32
        %add3A_585 = arith.addi %mul3A_583, %add3A_584 : i32
        %get3A_586 = arith.constant 2 : i32
        %get3A_587 = arith.index_cast %get3A_586 : i32 to index
        %get3A_588 = arith.index_cast %add3A_585 : i32 to index
        %get3A_589 = arith.constant 0 : index
        %get3A_590 = tpu.vector_load %arg7[%get3A_587, %get3A_588, %get3A_589] {strides = array<i32>} : memref<4x200x16xf32, #tpu.memory_space<vmem>>, vector<1x1x16xf32>,
        %get3A_591 = vector.shape_cast %get3A_590 : vector<1x1x16xf32> to vector<16xf32>
        %add3A_592 = arith.addf %scan3A_524, %get3A_591 : vector<16xf32>
        %mul3A_593 = arith.constant 8 : i32
        %mul3A_594 = arith.muli %scan3A_518, %mul3A_593 : i32
        %add3A_595 = arith.constant 6 : i32
        %add3A_596 = arith.addi %mul3A_594, %add3A_595 : i32
        %get3A_597 = arith.constant 2 : i32
        %get3A_598 = arith.index_cast %get3A_597 : i32 to index
        %get3A_599 = arith.index_cast %add3A_596 : i32 to index
        %get3A_600 = arith.constant 0 : index
        %get3A_601 = tpu.vector_load %arg7[%get3A_598, %get3A_599, %get3A_600] {strides = array<i32>} : memref<4x200x16xf32, #tpu.memory_space<vmem>>, vector<1x1x16xf32>,
        %get3A_602 = vector.shape_cast %get3A_601 : vector<1x1x16xf32> to vector<16xf32>
        %add3A_603 = arith.addf %scan3A_525, %get3A_602 : vector<16xf32>
        %mul3A_604 = arith.constant 8 : i32
        %mul3A_605 = arith.muli %scan3A_518, %mul3A_604 : i32
        %add3A_606 = arith.constant 7 : i32
        %add3A_607 = arith.addi %mul3A_605, %add3A_606 : i32
        %get3A_608 = arith.constant 2 : i32
        %get3A_609 = arith.index_cast %get3A_608 : i32 to index
        %get3A_610 = arith.index_cast %add3A_607 : i32 to index
        %get3A_611 = arith.constant 0 : index
        %get3A_612 = tpu.vector_load %arg7[%get3A_609, %get3A_610, %get3A_611] {strides = array<i32>} : memref<4x200x16xf32, #tpu.memory_space<vmem>>, vector<1x1x16xf32>,
        %get3A_613 = vector.shape_cast %get3A_612 : vector<1x1x16xf32> to vector<16xf32>
        %add3A_614 = arith.addf %scan3A_526, %get3A_613 : vector<16xf32>
        scf.yield %add3A_537, %add3A_548, %add3A_559, %add3A_570, %add3A_581, %add3A_592, %add3A_603, %add3A_614 : vector<16xf32>, vector<16xf32>, vector<16xf32>, vector<16xf32>, vector<16xf32>, vector<16xf32>, vector<16xf32>, vector<16xf32>
      }
      %scan3A_391 = arith.constant 24 : i32
      %add3A_392 = arith.addf %scan3A_390#0, %scan3A_390#1 : vector<16xf32>
      %add3A_393 = arith.addf %scan3A_390#2, %scan3A_390#3 : vector<16xf32>
      %add3A_394 = arith.addf %add3A_392, %add3A_393 : vector<16xf32>
      %add3A_395 = arith.addf %scan3A_390#4, %scan3A_390#5 : vector<16xf32>
      %add3A_396 = arith.addf %scan3A_390#6, %scan3A_390#7 : vector<16xf32>
      %add3A_397 = arith.addf %add3A_395, %add3A_396 : vector<16xf32>
      %add3A_398 = arith.addf %add3A_394, %add3A_397 : vector<16xf32>
      %add3A_399 = arith.addf %add3A_398, %get3A_6 : vector<16xf32>
      %swap3A_400 = arith.index_cast %add3A_309 : i32 to index
      %swap3A_401 = arith.constant 0 : index
      %swap3A_402 = tpu.vector_load %arg8[%swap3A_400, %swap3A_401] {strides = array<i32>} : memref<128x16xf32, #tpu.memory_space<vmem>>, vector<1x16xf32>,
      %swap3A_403 = vector.shape_cast %swap3A_402 : vector<1x16xf32> to vector<16xf32>
      %swap3A_404 = vector.shape_cast %add3A_399 : vector<16xf32> to vector<1x16xf32>
      tpu.vector_store %arg8[%swap3A_400, %swap3A_401], %swap3A_404 {strides = array<i32>} : memref<128x16xf32, #tpu.memory_space<vmem>>, vector<1x16xf32>,
      %add3A_405 = arith.constant 4 : i32
      %add3A_406 = arith.addi %add3A_309, %add3A_405 : i32
      %lt3A_407 = arith.constant 128 : i32
      %lt3A_408 = arith.cmpi slt, %add3A_406, %lt3A_407 : i32
      %convert_element_type3A_409 = arith.extui %lt3A_408 : i1 to i32
      %cond3A_410 = arith.constant 0 : i32
      %cond3A_411 = arith.cmpi ne, %convert_element_type3A_409, %cond3A_410 : i32
      scf.if %cond3A_411 {
        %mul3A_518 = arith.constant 200 : i32
        %mul3A_519 = arith.muli %add3A_406, %mul3A_518 : i32
        %multiple_of3A_520 = tpu.assume_multiple %mul3A_519, 8 : i32
        %dma_start3A_521 = arith.constant 2 : i32
        %dma_start3A_522 = arith.constant 0 : i32
        %dma_start3A_523 = arith.constant 0 : i32
        %dma_start3A_524 = tpu.memref_slice %arg7[%dma_start3A_521, %dma_start3A_522, %dma_start3A_523] : memref<4x200x16xf32, #tpu.memory_space<vmem>> -> memref<1x104x16xf32, #tpu.memory_space<vmem>>
        %dma_start3A_525 = tpu.memref_squeeze %dma_start3A_524 : memref<1x104x16xf32, #tpu.memory_space<vmem>> -> memref<104x16xf32, #tpu.memory_space<vmem>>
        %dma_start3A_526 = tpu.memref_slice %arg6[%multiple_of3A_520] : memref<25600xi32, #tpu.memory_space<vmem>> -> memref<104xi32, #tpu.memory_space<vmem>>
        %dma_start3A_527 = arith.constant 0 : i32
        %dma_start3A_528 = arith.constant 0 : i32
        %dma_start3A_529 = tpu.memref_slice %arg3[%dma_start3A_527, %dma_start3A_528] : memref<100000x16xf32, #tpu.memory_space<hbm>> -> memref<100000x16xf32, #tpu.memory_space<hbm>>
        tpu.enqueue_indirect_dma source(%dma_start3A_529 : memref<100000x16xf32, #tpu.memory_space<hbm>>) target(%dma_start3A_525 : memref<104x16xf32, #tpu.memory_space<vmem>>) offsets(%dma_start3A_526 : memref<104xi32, #tpu.memory_space<vmem>>) semaphore(%arg12 : memref<!tpu.dma_semaphore, #tpu.memory_space<semaphore_mem>>)
        %mul3A_530 = arith.constant 200 : i32
        %mul3A_531 = arith.muli %add3A_406, %mul3A_530 : i32
        %add3A_532 = arith.constant 104 : i32
        %add3A_533 = arith.addi %mul3A_531, %add3A_532 : i32
        %multiple_of3A_534 = tpu.assume_multiple %add3A_533, 8 : i32
        %dma_start3A_535 = arith.constant 2 : i32
        %dma_start3A_536 = arith.constant 104 : i32
        %dma_start3A_537 = arith.constant 0 : i32
        %dma_start3A_538 = tpu.memref_slice %arg7[%dma_start3A_535, %dma_start3A_536, %dma_start3A_537] : memref<4x200x16xf32, #tpu.memory_space<vmem>> -> memref<1x96x16xf32, #tpu.memory_space<vmem>>
        %dma_start3A_539 = tpu.memref_squeeze %dma_start3A_538 : memref<1x96x16xf32, #tpu.memory_space<vmem>> -> memref<96x16xf32, #tpu.memory_space<vmem>>
        %dma_start3A_540 = tpu.memref_slice %arg6[%multiple_of3A_534] : memref<25600xi32, #tpu.memory_space<vmem>> -> memref<96xi32, #tpu.memory_space<vmem>>
        %dma_start3A_541 = arith.constant 0 : i32
        %dma_start3A_542 = arith.constant 0 : i32
        %dma_start3A_543 = tpu.memref_slice %arg3[%dma_start3A_541, %dma_start3A_542] : memref<100000x16xf32, #tpu.memory_space<hbm>> -> memref<100000x16xf32, #tpu.memory_space<hbm>>
        tpu.enqueue_indirect_dma source(%dma_start3A_543 : memref<100000x16xf32, #tpu.memory_space<hbm>>) target(%dma_start3A_539 : memref<96x16xf32, #tpu.memory_space<vmem>>) offsets(%dma_start3A_540 : memref<96xi32, #tpu.memory_space<vmem>>) semaphore(%arg12 : memref<!tpu.dma_semaphore, #tpu.memory_space<semaphore_mem>>)
      } else {
      }
      %mul3A_412 = arith.constant 4 : i32
      %mul3A_413 = arith.muli %scan3A_98, %mul3A_412 : i32
      %add3A_414 = arith.constant 3 : i32
      %add3A_415 = arith.addi %mul3A_413, %add3A_414 : i32
      %dma_wait3A_416 = arith.constant 3 : i32
      %dma_wait3A_417 = arith.constant 0 : i32
      %dma_wait3A_418 = arith.constant 0 : i32
      %dma_wait3A_419 = tpu.memref_slice %arg7[%dma_wait3A_416, %dma_wait3A_417, %dma_wait3A_418] : memref<4x200x16xf32, #tpu.memory_space<vmem>> -> memref<1x104x16xf32, #tpu.memory_space<vmem>>
      %dma_wait3A_420 = tpu.memref_squeeze %dma_wait3A_419 : memref<1x104x16xf32, #tpu.memory_space<vmem>> -> memref<104x16xf32, #tpu.memory_space<vmem>>
      %dma_wait3A_421 = arith.constant 0 : i32
      %dma_wait3A_422 = tpu.memref_slice %arg6[%dma_wait3A_421] : memref<25600xi32, #tpu.memory_space<vmem>> -> memref<104xi32, #tpu.memory_space<vmem>>
      %dma_wait3A_423 = arith.constant 0 : i32
      %dma_wait3A_424 = arith.constant 0 : i32
      %dma_wait3A_425 = tpu.memref_slice %arg3[%dma_wait3A_423, %dma_wait3A_424] : memref<100000x16xf32, #tpu.memory_space<hbm>> -> memref<100000x16xf32, #tpu.memory_space<hbm>>
      tpu.wait_indirect_dma semaphore(%arg13 : memref<!tpu.dma_semaphore, #tpu.memory_space<semaphore_mem>>) src(%dma_wait3A_425 : memref<100000x16xf32, #tpu.memory_space<hbm>>) dst(%dma_wait3A_420 : memref<104x16xf32, #tpu.memory_space<vmem>>)
      %dma_wait3A_426 = arith.constant 3 : i32
      %dma_wait3A_427 = arith.constant 104 : i32
      %dma_wait3A_428 = arith.constant 0 : i32
      %dma_wait3A_429 = tpu.memref_slice %arg7[%dma_wait3A_426, %dma_wait3A_427, %dma_wait3A_428] : memref<4x200x16xf32, #tpu.memory_space<vmem>> -> memref<1x96x16xf32, #tpu.memory_space<vmem>>
      %dma_wait3A_430 = tpu.memref_squeeze %dma_wait3A_429 : memref<1x96x16xf32, #tpu.memory_space<vmem>> -> memref<96x16xf32, #tpu.memory_space<vmem>>
      %dma_wait3A_431 = arith.constant 0 : i32
      %dma_wait3A_432 = tpu.memref_slice %arg6[%dma_wait3A_431] : memref<25600xi32, #tpu.memory_space<vmem>> -> memref<96xi32, #tpu.memory_space<vmem>>
      %dma_wait3A_433 = arith.constant 0 : i32
      %dma_wait3A_434 = arith.constant 0 : i32
      %dma_wait3A_435 = tpu.memref_slice %arg3[%dma_wait3A_433, %dma_wait3A_434] : memref<100000x16xf32, #tpu.memory_space<hbm>> -> memref<100000x16xf32, #tpu.memory_space<hbm>>
      tpu.wait_indirect_dma semaphore(%arg13 : memref<!tpu.dma_semaphore, #tpu.memory_space<semaphore_mem>>) src(%dma_wait3A_435 : memref<100000x16xf32, #tpu.memory_space<hbm>>) dst(%dma_wait3A_430 : memref<96x16xf32, #tpu.memory_space<vmem>>)
      %get3A_436 = arith.constant 3 : i32
      %get3A_437 = arith.constant 0 : i32
      %get3A_438 = arith.index_cast %get3A_436 : i32 to index
      %get3A_439 = arith.index_cast %get3A_437 : i32 to index
      %get3A_440 = arith.constant 0 : index
      %get3A_441 = tpu.vector_load %arg7[%get3A_438, %get3A_439, %get3A_440] {strides = array<i32>} : memref<4x200x16xf32, #tpu.memory_space<vmem>>, vector<1x1x16xf32>,
      %get3A_442 = vector.shape_cast %get3A_441 : vector<1x1x16xf32> to vector<16xf32>
      %get3A_443 = arith.constant 3 : i32
      %get3A_444 = arith.constant 1 : i32
      %get3A_445 = arith.index_cast %get3A_443 : i32 to index
      %get3A_446 = arith.index_cast %get3A_444 : i32 to index
      %get3A_447 = arith.constant 0 : index
      %get3A_448 = tpu.vector_load %arg7[%get3A_445, %get3A_446, %get3A_447] {strides = array<i32>} : memref<4x200x16xf32, #tpu.memory_space<vmem>>, vector<1x1x16xf32>,
      %get3A_449 = vector.shape_cast %get3A_448 : vector<1x1x16xf32> to vector<16xf32>
      %get3A_450 = arith.constant 3 : i32
      %get3A_451 = arith.constant 2 : i32
      %get3A_452 = arith.index_cast %get3A_450 : i32 to index
      %get3A_453 = arith.index_cast %get3A_451 : i32 to index
      %get3A_454 = arith.constant 0 : index
      %get3A_455 = tpu.vector_load %arg7[%get3A_452, %get3A_453, %get3A_454] {strides = array<i32>} : memref<4x200x16xf32, #tpu.memory_space<vmem>>, vector<1x1x16xf32>,
      %get3A_456 = vector.shape_cast %get3A_455 : vector<1x1x16xf32> to vector<16xf32>
      %get3A_457 = arith.constant 3 : i32
      %get3A_458 = arith.constant 3 : i32
      %get3A_459 = arith.index_cast %get3A_457 : i32 to index
      %get3A_460 = arith.index_cast %get3A_458 : i32 to index
      %get3A_461 = arith.constant 0 : index
      %get3A_462 = tpu.vector_load %arg7[%get3A_459, %get3A_460, %get3A_461] {strides = array<i32>} : memref<4x200x16xf32, #tpu.memory_space<vmem>>, vector<1x1x16xf32>,
      %get3A_463 = vector.shape_cast %get3A_462 : vector<1x1x16xf32> to vector<16xf32>
      %get3A_464 = arith.constant 3 : i32
      %get3A_465 = arith.constant 4 : i32
      %get3A_466 = arith.index_cast %get3A_464 : i32 to index
      %get3A_467 = arith.index_cast %get3A_465 : i32 to index
      %get3A_468 = arith.constant 0 : index
      %get3A_469 = tpu.vector_load %arg7[%get3A_466, %get3A_467, %get3A_468] {strides = array<i32>} : memref<4x200x16xf32, #tpu.memory_space<vmem>>, vector<1x1x16xf32>,
      %get3A_470 = vector.shape_cast %get3A_469 : vector<1x1x16xf32> to vector<16xf32>
      %get3A_471 = arith.constant 3 : i32
      %get3A_472 = arith.constant 5 : i32
      %get3A_473 = arith.index_cast %get3A_471 : i32 to index
      %get3A_474 = arith.index_cast %get3A_472 : i32 to index
      %get3A_475 = arith.constant 0 : index
      %get3A_476 = tpu.vector_load %arg7[%get3A_473, %get3A_474, %get3A_475] {strides = array<i32>} : memref<4x200x16xf32, #tpu.memory_space<vmem>>, vector<1x1x16xf32>,
      %get3A_477 = vector.shape_cast %get3A_476 : vector<1x1x16xf32> to vector<16xf32>
      %get3A_478 = arith.constant 3 : i32
      %get3A_479 = arith.constant 6 : i32
      %get3A_480 = arith.index_cast %get3A_478 : i32 to index
      %get3A_481 = arith.index_cast %get3A_479 : i32 to index
      %get3A_482 = arith.constant 0 : index
      %get3A_483 = tpu.vector_load %arg7[%get3A_480, %get3A_481, %get3A_482] {strides = array<i32>} : memref<4x200x16xf32, #tpu.memory_space<vmem>>, vector<1x1x16xf32>,
      %get3A_484 = vector.shape_cast %get3A_483 : vector<1x1x16xf32> to vector<16xf32>
      %get3A_485 = arith.constant 3 : i32
      %get3A_486 = arith.constant 7 : i32
      %get3A_487 = arith.index_cast %get3A_485 : i32 to index
      %get3A_488 = arith.index_cast %get3A_486 : i32 to index
      %get3A_489 = arith.constant 0 : index
      %get3A_490 = tpu.vector_load %arg7[%get3A_487, %get3A_488, %get3A_489] {strides = array<i32>} : memref<4x200x16xf32, #tpu.memory_space<vmem>>, vector<1x1x16xf32>,
      %get3A_491 = vector.shape_cast %get3A_490 : vector<1x1x16xf32> to vector<16xf32>
      %scan3A_492 = arith.constant 1 : i32
      %scan3A_493 = arith.constant 24 : i32
      %scan3A_494 = arith.addi %scan3A_492, %scan3A_493 : i32
      %scan3A_495 = arith.constant 1 : i32
      %scan3A_496:8 = scf.for %scan3A_518 = %scan3A_492 to %scan3A_494 step %scan3A_495 iter_args(%scan3A_519 = %get3A_442, %scan3A_520 = %get3A_449, %scan3A_521 = %get3A_456, %scan3A_522 = %get3A_463, %scan3A_523 = %get3A_470, %scan3A_524 = %get3A_477, %scan3A_525 = %get3A_484, %scan3A_526 = %get3A_491) -> (vector<16xf32>, vector<16xf32>, vector<16xf32>, vector<16xf32>, vector<16xf32>, vector<16xf32>, vector<16xf32>, vector<16xf32>)  : i32 {
        %mul3A_527 = arith.constant 8 : i32
        %mul3A_528 = arith.muli %scan3A_518, %mul3A_527 : i32
        %add3A_529 = arith.constant 0 : i32
        %add3A_530 = arith.addi %mul3A_528, %add3A_529 : i32
        %get3A_531 = arith.constant 3 : i32
        %get3A_532 = arith.index_cast %get3A_531 : i32 to index
        %get3A_533 = arith.index_cast %add3A_530 : i32 to index
        %get3A_534 = arith.constant 0 : index
        %get3A_535 = tpu.vector_load %arg7[%get3A_532, %get3A_533, %get3A_534] {strides = array<i32>} : memref<4x200x16xf32, #tpu.memory_space<vmem>>, vector<1x1x16xf32>,
        %get3A_536 = vector.shape_cast %get3A_535 : vector<1x1x16xf32> to vector<16xf32>
        %add3A_537 = arith.addf %scan3A_519, %get3A_536 : vector<16xf32>
        %mul3A_538 = arith.constant 8 : i32
        %mul3A_539 = arith.muli %scan3A_518, %mul3A_538 : i32
        %add3A_540 = arith.constant 1 : i32
        %add3A_541 = arith.addi %mul3A_539, %add3A_540 : i32
        %get3A_542 = arith.constant 3 : i32
        %get3A_543 = arith.index_cast %get3A_542 : i32 to index
        %get3A_544 = arith.index_cast %add3A_541 : i32 to index
        %get3A_545 = arith.constant 0 : index
        %get3A_546 = tpu.vector_load %arg7[%get3A_543, %get3A_544, %get3A_545] {strides = array<i32>} : memref<4x200x16xf32, #tpu.memory_space<vmem>>, vector<1x1x16xf32>,
        %get3A_547 = vector.shape_cast %get3A_546 : vector<1x1x16xf32> to vector<16xf32>
        %add3A_548 = arith.addf %scan3A_520, %get3A_547 : vector<16xf32>
        %mul3A_549 = arith.constant 8 : i32
        %mul3A_550 = arith.muli %scan3A_518, %mul3A_549 : i32
        %add3A_551 = arith.constant 2 : i32
        %add3A_552 = arith.addi %mul3A_550, %add3A_551 : i32
        %get3A_553 = arith.constant 3 : i32
        %get3A_554 = arith.index_cast %get3A_553 : i32 to index
        %get3A_555 = arith.index_cast %add3A_552 : i32 to index
        %get3A_556 = arith.constant 0 : index
        %get3A_557 = tpu.vector_load %arg7[%get3A_554, %get3A_555, %get3A_556] {strides = array<i32>} : memref<4x200x16xf32, #tpu.memory_space<vmem>>, vector<1x1x16xf32>,
        %get3A_558 = vector.shape_cast %get3A_557 : vector<1x1x16xf32> to vector<16xf32>
        %add3A_559 = arith.addf %scan3A_521, %get3A_558 : vector<16xf32>
        %mul3A_560 = arith.constant 8 : i32
        %mul3A_561 = arith.muli %scan3A_518, %mul3A_560 : i32
        %add3A_562 = arith.constant 3 : i32
        %add3A_563 = arith.addi %mul3A_561, %add3A_562 : i32
        %get3A_564 = arith.constant 3 : i32
        %get3A_565 = arith.index_cast %get3A_564 : i32 to index
        %get3A_566 = arith.index_cast %add3A_563 : i32 to index
        %get3A_567 = arith.constant 0 : index
        %get3A_568 = tpu.vector_load %arg7[%get3A_565, %get3A_566, %get3A_567] {strides = array<i32>} : memref<4x200x16xf32, #tpu.memory_space<vmem>>, vector<1x1x16xf32>,
        %get3A_569 = vector.shape_cast %get3A_568 : vector<1x1x16xf32> to vector<16xf32>
        %add3A_570 = arith.addf %scan3A_522, %get3A_569 : vector<16xf32>
        %mul3A_571 = arith.constant 8 : i32
        %mul3A_572 = arith.muli %scan3A_518, %mul3A_571 : i32
        %add3A_573 = arith.constant 4 : i32
        %add3A_574 = arith.addi %mul3A_572, %add3A_573 : i32
        %get3A_575 = arith.constant 3 : i32
        %get3A_576 = arith.index_cast %get3A_575 : i32 to index
        %get3A_577 = arith.index_cast %add3A_574 : i32 to index
        %get3A_578 = arith.constant 0 : index
        %get3A_579 = tpu.vector_load %arg7[%get3A_576, %get3A_577, %get3A_578] {strides = array<i32>} : memref<4x200x16xf32, #tpu.memory_space<vmem>>, vector<1x1x16xf32>,
        %get3A_580 = vector.shape_cast %get3A_579 : vector<1x1x16xf32> to vector<16xf32>
        %add3A_581 = arith.addf %scan3A_523, %get3A_580 : vector<16xf32>
        %mul3A_582 = arith.constant 8 : i32
        %mul3A_583 = arith.muli %scan3A_518, %mul3A_582 : i32
        %add3A_584 = arith.constant 5 : i32
        %add3A_585 = arith.addi %mul3A_583, %add3A_584 : i32
        %get3A_586 = arith.constant 3 : i32
        %get3A_587 = arith.index_cast %get3A_586 : i32 to index
        %get3A_588 = arith.index_cast %add3A_585 : i32 to index
        %get3A_589 = arith.constant 0 : index
        %get3A_590 = tpu.vector_load %arg7[%get3A_587, %get3A_588, %get3A_589] {strides = array<i32>} : memref<4x200x16xf32, #tpu.memory_space<vmem>>, vector<1x1x16xf32>,
        %get3A_591 = vector.shape_cast %get3A_590 : vector<1x1x16xf32> to vector<16xf32>
        %add3A_592 = arith.addf %scan3A_524, %get3A_591 : vector<16xf32>
        %mul3A_593 = arith.constant 8 : i32
        %mul3A_594 = arith.muli %scan3A_518, %mul3A_593 : i32
        %add3A_595 = arith.constant 6 : i32
        %add3A_596 = arith.addi %mul3A_594, %add3A_595 : i32
        %get3A_597 = arith.constant 3 : i32
        %get3A_598 = arith.index_cast %get3A_597 : i32 to index
        %get3A_599 = arith.index_cast %add3A_596 : i32 to index
        %get3A_600 = arith.constant 0 : index
        %get3A_601 = tpu.vector_load %arg7[%get3A_598, %get3A_599, %get3A_600] {strides = array<i32>} : memref<4x200x16xf32, #tpu.memory_space<vmem>>, vector<1x1x16xf32>,
        %get3A_602 = vector.shape_cast %get3A_601 : vector<1x1x16xf32> to vector<16xf32>
        %add3A_603 = arith.addf %scan3A_525, %get3A_602 : vector<16xf32>
        %mul3A_604 = arith.constant 8 : i32
        %mul3A_605 = arith.muli %scan3A_518, %mul3A_604 : i32
        %add3A_606 = arith.constant 7 : i32
        %add3A_607 = arith.addi %mul3A_605, %add3A_606 : i32
        %get3A_608 = arith.constant 3 : i32
        %get3A_609 = arith.index_cast %get3A_608 : i32 to index
        %get3A_610 = arith.index_cast %add3A_607 : i32 to index
        %get3A_611 = arith.constant 0 : index
        %get3A_612 = tpu.vector_load %arg7[%get3A_609, %get3A_610, %get3A_611] {strides = array<i32>} : memref<4x200x16xf32, #tpu.memory_space<vmem>>, vector<1x1x16xf32>,
        %get3A_613 = vector.shape_cast %get3A_612 : vector<1x1x16xf32> to vector<16xf32>
        %add3A_614 = arith.addf %scan3A_526, %get3A_613 : vector<16xf32>
        scf.yield %add3A_537, %add3A_548, %add3A_559, %add3A_570, %add3A_581, %add3A_592, %add3A_603, %add3A_614 : vector<16xf32>, vector<16xf32>, vector<16xf32>, vector<16xf32>, vector<16xf32>, vector<16xf32>, vector<16xf32>, vector<16xf32>
      }
      %scan3A_497 = arith.constant 24 : i32
      %add3A_498 = arith.addf %scan3A_496#0, %scan3A_496#1 : vector<16xf32>
      %add3A_499 = arith.addf %scan3A_496#2, %scan3A_496#3 : vector<16xf32>
      %add3A_500 = arith.addf %add3A_498, %add3A_499 : vector<16xf32>
      %add3A_501 = arith.addf %scan3A_496#4, %scan3A_496#5 : vector<16xf32>
      %add3A_502 = arith.addf %scan3A_496#6, %scan3A_496#7 : vector<16xf32>
      %add3A_503 = arith.addf %add3A_501, %add3A_502 : vector<16xf32>
      %add3A_504 = arith.addf %add3A_500, %add3A_503 : vector<16xf32>
      %add3A_505 = arith.addf %add3A_504, %get3A_6 : vector<16xf32>
      %swap3A_506 = arith.index_cast %add3A_415 : i32 to index
      %swap3A_507 = arith.constant 0 : index
      %swap3A_508 = tpu.vector_load %arg8[%swap3A_506, %swap3A_507] {strides = array<i32>} : memref<128x16xf32, #tpu.memory_space<vmem>>, vector<1x16xf32>,
      %swap3A_509 = vector.shape_cast %swap3A_508 : vector<1x16xf32> to vector<16xf32>
      %swap3A_510 = vector.shape_cast %add3A_505 : vector<16xf32> to vector<1x16xf32>
      tpu.vector_store %arg8[%swap3A_506, %swap3A_507], %swap3A_510 {strides = array<i32>} : memref<128x16xf32, #tpu.memory_space<vmem>>, vector<1x16xf32>,
      %add3A_511 = arith.constant 4 : i32
      %add3A_512 = arith.addi %add3A_415, %add3A_511 : i32
      %lt3A_513 = arith.constant 128 : i32
      %lt3A_514 = arith.cmpi slt, %add3A_512, %lt3A_513 : i32
      %convert_element_type3A_515 = arith.extui %lt3A_514 : i1 to i32
      %cond3A_516 = arith.constant 0 : i32
      %cond3A_517 = arith.cmpi ne, %convert_element_type3A_515, %cond3A_516 : i32
      scf.if %cond3A_517 {
        %mul3A_518 = arith.constant 200 : i32
        %mul3A_519 = arith.muli %add3A_512, %mul3A_518 : i32
        %multiple_of3A_520 = tpu.assume_multiple %mul3A_519, 8 : i32
        %dma_start3A_521 = arith.constant 3 : i32
        %dma_start3A_522 = arith.constant 0 : i32
        %dma_start3A_523 = arith.constant 0 : i32
        %dma_start3A_524 = tpu.memref_slice %arg7[%dma_start3A_521, %dma_start3A_522, %dma_start3A_523] : memref<4x200x16xf32, #tpu.memory_space<vmem>> -> memref<1x104x16xf32, #tpu.memory_space<vmem>>
        %dma_start3A_525 = tpu.memref_squeeze %dma_start3A_524 : memref<1x104x16xf32, #tpu.memory_space<vmem>> -> memref<104x16xf32, #tpu.memory_space<vmem>>
        %dma_start3A_526 = tpu.memref_slice %arg6[%multiple_of3A_520] : memref<25600xi32, #tpu.memory_space<vmem>> -> memref<104xi32, #tpu.memory_space<vmem>>
        %dma_start3A_527 = arith.constant 0 : i32
        %dma_start3A_528 = arith.constant 0 : i32
        %dma_start3A_529 = tpu.memref_slice %arg3[%dma_start3A_527, %dma_start3A_528] : memref<100000x16xf32, #tpu.memory_space<hbm>> -> memref<100000x16xf32, #tpu.memory_space<hbm>>
        tpu.enqueue_indirect_dma source(%dma_start3A_529 : memref<100000x16xf32, #tpu.memory_space<hbm>>) target(%dma_start3A_525 : memref<104x16xf32, #tpu.memory_space<vmem>>) offsets(%dma_start3A_526 : memref<104xi32, #tpu.memory_space<vmem>>) semaphore(%arg13 : memref<!tpu.dma_semaphore, #tpu.memory_space<semaphore_mem>>)
        %mul3A_530 = arith.constant 200 : i32
        %mul3A_531 = arith.muli %add3A_512, %mul3A_530 : i32
        %add3A_532 = arith.constant 104 : i32
        %add3A_533 = arith.addi %mul3A_531, %add3A_532 : i32
        %multiple_of3A_534 = tpu.assume_multiple %add3A_533, 8 : i32
        %dma_start3A_535 = arith.constant 3 : i32
        %dma_start3A_536 = arith.constant 104 : i32
        %dma_start3A_537 = arith.constant 0 : i32
        %dma_start3A_538 = tpu.memref_slice %arg7[%dma_start3A_535, %dma_start3A_536, %dma_start3A_537] : memref<4x200x16xf32, #tpu.memory_space<vmem>> -> memref<1x96x16xf32, #tpu.memory_space<vmem>>
        %dma_start3A_539 = tpu.memref_squeeze %dma_start3A_538 : memref<1x96x16xf32, #tpu.memory_space<vmem>> -> memref<96x16xf32, #tpu.memory_space<vmem>>
        %dma_start3A_540 = tpu.memref_slice %arg6[%multiple_of3A_534] : memref<25600xi32, #tpu.memory_space<vmem>> -> memref<96xi32, #tpu.memory_space<vmem>>
        %dma_start3A_541 = arith.constant 0 : i32
        %dma_start3A_542 = arith.constant 0 : i32
        %dma_start3A_543 = tpu.memref_slice %arg3[%dma_start3A_541, %dma_start3A_542] : memref<100000x16xf32, #tpu.memory_space<hbm>> -> memref<100000x16xf32, #tpu.memory_space<hbm>>
        tpu.enqueue_indirect_dma source(%dma_start3A_543 : memref<100000x16xf32, #tpu.memory_space<hbm>>) target(%dma_start3A_539 : memref<96x16xf32, #tpu.memory_space<vmem>>) offsets(%dma_start3A_540 : memref<96xi32, #tpu.memory_space<vmem>>) semaphore(%arg13 : memref<!tpu.dma_semaphore, #tpu.memory_space<semaphore_mem>>)
      } else {
      }
    }
    %scan3A_97 = arith.constant 32 : i32
    "tpu.region"() ({
      %run_scoped3A = tpu.sem_alloc : memref<!tpu.dma_semaphore, #tpu.memory_space<semaphore_mem>>
      %dma_start3A_98 = arith.constant 0 : i32
      %dma_start3A_99 = tpu.memref_slice %arg5[%mul3A_2, %dma_start3A_98] : memref<4096x16xf32, #tpu.memory_space<hbm>> -> memref<128x16xf32, #tpu.memory_space<hbm>>
      %dma_start3A_100 = arith.constant 0 : i32
      %dma_start3A_101 = tpu.memref_slice %arg5[%mul3A_2, %dma_start3A_100] : memref<4096x16xf32, #tpu.memory_space<hbm>> -> memref<128x16xf32, #tpu.memory_space<hbm>>
      tpu.enqueue_dma source(%arg8 : memref<128x16xf32, #tpu.memory_space<vmem>>) target(%dma_start3A_101 : memref<128x16xf32, #tpu.memory_space<hbm>>) target_semaphore(%run_scoped3A : memref<!tpu.dma_semaphore, #tpu.memory_space<semaphore_mem>>)
      %dma_wait3A = arith.constant 0 : i32
      %dma_wait3A_102 = tpu.memref_slice %arg5[%mul3A_2, %dma_wait3A] : memref<4096x16xf32, #tpu.memory_space<hbm>> -> memref<128x16xf32, #tpu.memory_space<hbm>>
      %dma_wait3A_103 = arith.constant 0 : i32
      %dma_wait3A_104 = tpu.memref_slice %arg5[%mul3A_2, %dma_wait3A_103] : memref<4096x16xf32, #tpu.memory_space<hbm>> -> memref<128x16xf32, #tpu.memory_space<hbm>>
      tpu.wait_dma2 semaphore(%run_scoped3A : memref<!tpu.dma_semaphore, #tpu.memory_space<semaphore_mem>>) src(%arg8 : memref<128x16xf32, #tpu.memory_space<vmem>>) dst(%dma_wait3A_104 : memref<128x16xf32, #tpu.memory_space<hbm>>)
      tpu.yield
    }) : () -> ()
    return
  }
}

module attributes {stable_mosaic.version = 14 : i64} {
  func.func @_proj_body(%arg0: i32, %arg1: memref<1000x8x128xf32, #tpu.memory_space<vmem>>, %arg2: memref<8x128x128xf32, #tpu.memory_space<vmem>>, %arg3: memref<1000x128xf32, #tpu.memory_space<vmem>>) attributes {dimension_semantics = [#tpu.dimension_semantics<arbitrary>], iteration_bounds = array<i64: 13>, scalar_prefetch = 0 : i64, scratch_operands = 0 : i64, tpu.core_type = #tpu.core_type<tc>, window_params = [{transform_indices = @transform_0, window_bounds = array<i64: 1000, 8, 128>}, {pipeline_mode = #tpu.pipeline_mode<synchronous>, transform_indices = @transform_1, window_bounds = array<i64: 8, 128, 128>}, {transform_indices = @transform_2, window_bounds = array<i64: 1000, 128>}]} {
    %get3A = arith.constant 0 : index
    %get3A_0 = arith.constant 0 : index
    %get3A_1 = arith.constant 0 : index
    %get3A_2 = vector.load %arg1[%get3A, %get3A_0, %get3A_1] : memref<1000x8x128xf32, #tpu.memory_space<vmem>>, vector<1000x1x128xf32>
    %get3A_3 = vector.shape_cast %get3A_2 : vector<1000x1x128xf32> to vector<1000x128xf32>
    %get3A_4 = arith.constant 0 : index
    %get3A_5 = arith.constant 0 : index
    %get3A_6 = arith.constant 0 : index
    %get3A_7 = vector.load %arg2[%get3A_4, %get3A_5, %get3A_6] : memref<8x128x128xf32, #tpu.memory_space<vmem>>, vector<1x128x128xf32>
    %get3A_8 = vector.shape_cast %get3A_7 : vector<1x128x128xf32> to vector<128x128xf32>
    %dot_general3A = arith.constant dense<0.000000e+00> : vector<1000x128xf32>
    %dot_general3A_9 = tpu.matmul %get3A_3, %get3A_8, %dot_general3A {dimension_numbers = #tpu.dot_dimension_numbers<[1], [0], [0], [1], [0, 0, 1, 1], [], []>, transpose_lhs_hint = false} : vector<1000x128xf32>, vector<128x128xf32>, vector<1000x128xf32> -> vector<1000x128xf32>
    %get3A_10 = arith.constant 0 : index
    %get3A_11 = arith.constant 1 : index
    %get3A_12 = arith.constant 0 : index
    %get3A_13 = vector.load %arg1[%get3A_10, %get3A_11, %get3A_12] : memref<1000x8x128xf32, #tpu.memory_space<vmem>>, vector<1000x1x128xf32>
    %get3A_14 = vector.shape_cast %get3A_13 : vector<1000x1x128xf32> to vector<1000x128xf32>
    %get3A_15 = arith.constant 1 : index
    %get3A_16 = arith.constant 0 : index
    %get3A_17 = arith.constant 0 : index
    %get3A_18 = vector.load %arg2[%get3A_15, %get3A_16, %get3A_17] : memref<8x128x128xf32, #tpu.memory_space<vmem>>, vector<1x128x128xf32>
    %get3A_19 = vector.shape_cast %get3A_18 : vector<1x128x128xf32> to vector<128x128xf32>
    %dot_general3A_20 = arith.constant dense<0.000000e+00> : vector<1000x128xf32>
    %dot_general3A_21 = tpu.matmul %get3A_14, %get3A_19, %dot_general3A_20 {dimension_numbers = #tpu.dot_dimension_numbers<[1], [0], [0], [1], [0, 0, 1, 1], [], []>, transpose_lhs_hint = false} : vector<1000x128xf32>, vector<128x128xf32>, vector<1000x128xf32> -> vector<1000x128xf32>
    %add3A = arith.addf %dot_general3A_9, %dot_general3A_21 : vector<1000x128xf32>
    %get3A_22 = arith.constant 0 : index
    %get3A_23 = arith.constant 2 : index
    %get3A_24 = arith.constant 0 : index
    %get3A_25 = vector.load %arg1[%get3A_22, %get3A_23, %get3A_24] : memref<1000x8x128xf32, #tpu.memory_space<vmem>>, vector<1000x1x128xf32>
    %get3A_26 = vector.shape_cast %get3A_25 : vector<1000x1x128xf32> to vector<1000x128xf32>
    %get3A_27 = arith.constant 2 : index
    %get3A_28 = arith.constant 0 : index
    %get3A_29 = arith.constant 0 : index
    %get3A_30 = vector.load %arg2[%get3A_27, %get3A_28, %get3A_29] : memref<8x128x128xf32, #tpu.memory_space<vmem>>, vector<1x128x128xf32>
    %get3A_31 = vector.shape_cast %get3A_30 : vector<1x128x128xf32> to vector<128x128xf32>
    %dot_general3A_32 = arith.constant dense<0.000000e+00> : vector<1000x128xf32>
    %dot_general3A_33 = tpu.matmul %get3A_26, %get3A_31, %dot_general3A_32 {dimension_numbers = #tpu.dot_dimension_numbers<[1], [0], [0], [1], [0, 0, 1, 1], [], []>, transpose_lhs_hint = false} : vector<1000x128xf32>, vector<128x128xf32>, vector<1000x128xf32> -> vector<1000x128xf32>
    %add3A_34 = arith.addf %add3A, %dot_general3A_33 : vector<1000x128xf32>
    %get3A_35 = arith.constant 0 : index
    %get3A_36 = arith.constant 3 : index
    %get3A_37 = arith.constant 0 : index
    %get3A_38 = vector.load %arg1[%get3A_35, %get3A_36, %get3A_37] : memref<1000x8x128xf32, #tpu.memory_space<vmem>>, vector<1000x1x128xf32>
    %get3A_39 = vector.shape_cast %get3A_38 : vector<1000x1x128xf32> to vector<1000x128xf32>
    %get3A_40 = arith.constant 3 : index
    %get3A_41 = arith.constant 0 : index
    %get3A_42 = arith.constant 0 : index
    %get3A_43 = vector.load %arg2[%get3A_40, %get3A_41, %get3A_42] : memref<8x128x128xf32, #tpu.memory_space<vmem>>, vector<1x128x128xf32>
    %get3A_44 = vector.shape_cast %get3A_43 : vector<1x128x128xf32> to vector<128x128xf32>
    %dot_general3A_45 = arith.constant dense<0.000000e+00> : vector<1000x128xf32>
    %dot_general3A_46 = tpu.matmul %get3A_39, %get3A_44, %dot_general3A_45 {dimension_numbers = #tpu.dot_dimension_numbers<[1], [0], [0], [1], [0, 0, 1, 1], [], []>, transpose_lhs_hint = false} : vector<1000x128xf32>, vector<128x128xf32>, vector<1000x128xf32> -> vector<1000x128xf32>
    %add3A_47 = arith.addf %add3A_34, %dot_general3A_46 : vector<1000x128xf32>
    %get3A_48 = arith.constant 0 : index
    %get3A_49 = arith.constant 4 : index
    %get3A_50 = arith.constant 0 : index
    %get3A_51 = vector.load %arg1[%get3A_48, %get3A_49, %get3A_50] : memref<1000x8x128xf32, #tpu.memory_space<vmem>>, vector<1000x1x128xf32>
    %get3A_52 = vector.shape_cast %get3A_51 : vector<1000x1x128xf32> to vector<1000x128xf32>
    %get3A_53 = arith.constant 4 : index
    %get3A_54 = arith.constant 0 : index
    %get3A_55 = arith.constant 0 : index
    %get3A_56 = vector.load %arg2[%get3A_53, %get3A_54, %get3A_55] : memref<8x128x128xf32, #tpu.memory_space<vmem>>, vector<1x128x128xf32>
    %get3A_57 = vector.shape_cast %get3A_56 : vector<1x128x128xf32> to vector<128x128xf32>
    %dot_general3A_58 = arith.constant dense<0.000000e+00> : vector<1000x128xf32>
    %dot_general3A_59 = tpu.matmul %get3A_52, %get3A_57, %dot_general3A_58 {dimension_numbers = #tpu.dot_dimension_numbers<[1], [0], [0], [1], [0, 0, 1, 1], [], []>, transpose_lhs_hint = false} : vector<1000x128xf32>, vector<128x128xf32>, vector<1000x128xf32> -> vector<1000x128xf32>
    %add3A_60 = arith.addf %add3A_47, %dot_general3A_59 : vector<1000x128xf32>
    %get3A_61 = arith.constant 0 : index
    %get3A_62 = arith.constant 5 : index
    %get3A_63 = arith.constant 0 : index
    %get3A_64 = vector.load %arg1[%get3A_61, %get3A_62, %get3A_63] : memref<1000x8x128xf32, #tpu.memory_space<vmem>>, vector<1000x1x128xf32>
    %get3A_65 = vector.shape_cast %get3A_64 : vector<1000x1x128xf32> to vector<1000x128xf32>
    %get3A_66 = arith.constant 5 : index
    %get3A_67 = arith.constant 0 : index
    %get3A_68 = arith.constant 0 : index
    %get3A_69 = vector.load %arg2[%get3A_66, %get3A_67, %get3A_68] : memref<8x128x128xf32, #tpu.memory_space<vmem>>, vector<1x128x128xf32>
    %get3A_70 = vector.shape_cast %get3A_69 : vector<1x128x128xf32> to vector<128x128xf32>
    %dot_general3A_71 = arith.constant dense<0.000000e+00> : vector<1000x128xf32>
    %dot_general3A_72 = tpu.matmul %get3A_65, %get3A_70, %dot_general3A_71 {dimension_numbers = #tpu.dot_dimension_numbers<[1], [0], [0], [1], [0, 0, 1, 1], [], []>, transpose_lhs_hint = false} : vector<1000x128xf32>, vector<128x128xf32>, vector<1000x128xf32> -> vector<1000x128xf32>
    %add3A_73 = arith.addf %add3A_60, %dot_general3A_72 : vector<1000x128xf32>
    %get3A_74 = arith.constant 0 : index
    %get3A_75 = arith.constant 6 : index
    %get3A_76 = arith.constant 0 : index
    %get3A_77 = vector.load %arg1[%get3A_74, %get3A_75, %get3A_76] : memref<1000x8x128xf32, #tpu.memory_space<vmem>>, vector<1000x1x128xf32>
    %get3A_78 = vector.shape_cast %get3A_77 : vector<1000x1x128xf32> to vector<1000x128xf32>
    %get3A_79 = arith.constant 6 : index
    %get3A_80 = arith.constant 0 : index
    %get3A_81 = arith.constant 0 : index
    %get3A_82 = vector.load %arg2[%get3A_79, %get3A_80, %get3A_81] : memref<8x128x128xf32, #tpu.memory_space<vmem>>, vector<1x128x128xf32>
    %get3A_83 = vector.shape_cast %get3A_82 : vector<1x128x128xf32> to vector<128x128xf32>
    %dot_general3A_84 = arith.constant dense<0.000000e+00> : vector<1000x128xf32>
    %dot_general3A_85 = tpu.matmul %get3A_78, %get3A_83, %dot_general3A_84 {dimension_numbers = #tpu.dot_dimension_numbers<[1], [0], [0], [1], [0, 0, 1, 1], [], []>, transpose_lhs_hint = false} : vector<1000x128xf32>, vector<128x128xf32>, vector<1000x128xf32> -> vector<1000x128xf32>
    %add3A_86 = arith.addf %add3A_73, %dot_general3A_85 : vector<1000x128xf32>
    %get3A_87 = arith.constant 0 : index
    %get3A_88 = arith.constant 7 : index
    %get3A_89 = arith.constant 0 : index
    %get3A_90 = vector.load %arg1[%get3A_87, %get3A_88, %get3A_89] : memref<1000x8x128xf32, #tpu.memory_space<vmem>>, vector<1000x1x128xf32>
    %get3A_91 = vector.shape_cast %get3A_90 : vector<1000x1x128xf32> to vector<1000x128xf32>
    %get3A_92 = arith.constant 7 : index
    %get3A_93 = arith.constant 0 : index
    %get3A_94 = arith.constant 0 : index
    %get3A_95 = vector.load %arg2[%get3A_92, %get3A_93, %get3A_94] : memref<8x128x128xf32, #tpu.memory_space<vmem>>, vector<1x128x128xf32>
    %get3A_96 = vector.shape_cast %get3A_95 : vector<1x128x128xf32> to vector<128x128xf32>
    %dot_general3A_97 = arith.constant dense<0.000000e+00> : vector<1000x128xf32>
    %dot_general3A_98 = tpu.matmul %get3A_91, %get3A_96, %dot_general3A_97 {dimension_numbers = #tpu.dot_dimension_numbers<[1], [0], [0], [1], [0, 0, 1, 1], [], []>, transpose_lhs_hint = false} : vector<1000x128xf32>, vector<128x128xf32>, vector<1000x128xf32> -> vector<1000x128xf32>
    %add3A_99 = arith.addf %add3A_86, %dot_general3A_98 : vector<1000x128xf32>
    %swap3A = arith.constant 0 : index
    %swap3A_100 = arith.constant 0 : index
    %swap3A_101 = vector.load %arg3[%swap3A, %swap3A_100] : memref<1000x128xf32, #tpu.memory_space<vmem>>, vector<1000x128xf32>
    tpu.vector_store %arg3[%swap3A, %swap3A_100], %add3A_99 {strides = array<i32>} : memref<1000x128xf32, #tpu.memory_space<vmem>>, vector<1000x128xf32>,
    return
  }
  func.func @transform_0(%arg0: i32) -> (i32, i32, i32) {
    %c0_i32 = arith.constant 0 : i32
    %c0_i32_0 = arith.constant 0 : i32
    %c0_i32_1 = arith.constant 0 : i32
    return %arg0, %c0_i32, %c0_i32_0 : i32, i32, i32
  }
  func.func @transform_1(%arg0: i32) -> (i32, i32, i32) {
    %c0_i32 = arith.constant 0 : i32
    %c0_i32_0 = arith.constant 0 : i32
    %c0_i32_1 = arith.constant 0 : i32
    %c0_i32_2 = arith.constant 0 : i32
    return %c0_i32, %c0_i32_0, %c0_i32_1 : i32, i32, i32
  }
  func.func @transform_2(%arg0: i32) -> (i32, i32) {
    %c0_i32 = arith.constant 0 : i32
    %c0_i32_0 = arith.constant 0 : i32
    return %arg0, %c0_i32 : i32, i32
  }
}

</mosaic_0001>

<sc_bundles>
// kernel: kernel.4.cloned.1.call-start
scs
__scs_entry_jumppad:
0x0: {  	(pc) =	sbr.rel $0x88, $3  }
0x1: {  	(tag) =	ssettag $0x0;
	lr =	simm.s32 $0x1  }
0x2: {  	[smem:$0x3F9D] =	sst lr;
	_ =	strace $0xD0000000  }
0x3: {  	_ = 	snop  }
0x4: {  	_ = 	snop  }
0x5: {  	_ = 	snop  }
0x6: {  	_ = 	snop  }
0x7: {  	_ = 	snop  }
__scs_overlays_trampoline_lowered:
0x8: {  	[smem:$0x3FAC] =	sst s0  }
0x9: {  	[smem:$0x3FAD] =	sst s1  }
0xa: {  	[smem:$0x3FAE] =	sst s2  }
0xb: {  	[smem:$0x3FAF] =	sst s3  }
0xc: {  	[smem:$0x3FB0] =	sst s4  }
0xd: {  	[smem:$0x3FB1] =	sst s5  }
0xe: {  	[smem:$0x3FB2] =	sst s6  }
0xf: {  	[smem:$0x3FB3] =	sst s7  }
0x10: {  	[smem:$0x3FB4] =	sst s8  }
0x11: {  	[smem:$0x3FB5] =	sst s9;
	s0 =	simm.s32 @!p0 $0x0  }
0x12: {  	s1 =	sld [smem:$0x3F9B];
	s0 =	simm.s32 @p0 $0x1  }
0x13: {  	[smem:$0x3FB6] =	sst s0;
	s0 =	simm.s32 @!p1 $0x0  }
0x14: {  	s2 =	sld [smem:$0x3F9A];
	s0 =	simm.s32 @p1 $0x1  }
0x15: {  	[smem:$0x3FB7] =	sst s0;
	s0 =	simm.s32 @!p2 $0x0  }
0x16: {  	s3 =	sld [smem:$0x3FDB];
	s0 =	simm.s32 @p2 $0x1  }
0x17: {  	s4 =	simm.s32 $0x1BF5;
	[smem:$0x3FB9] =	sst s0  }
0x18: {  	s0 =	sld [smem:$0x3F9C];
	_ =	swait.ge [sflag:s4], $0x0  }
0x19: {  	s7 =	sld [smem:$0x3F9D]  }
0x1a: {  	s8 =	sadd.s32 $0xFFFFE003, lr  }
0x1b: {  	s9 =	sadd.s32 $0xFFFFFEF7, lr;
	s5 =	simm.s32 $0xFFFFFFFF;
	p2 =	slt.u32 s8, $0xFFFFF086  }
0x1c: {  	p1 =	slt.u32 s9, $0xF7A;
	s5 =	simm.s32 @!p2 $0x0  }
0x1d: {  	s5 =	simm.s32 @p1 $0x1;
	p0 =	seq.s32 s7, s2  }
0x1e: {  	s7 =	smul.u32 @!p0 $0xF7A, s2;
	p2 =	seq.s32 @!p0 s5, $0x0  }
0x1f: {  	s9 =	smul.u32 $0xF7A, s1;
	s8 =	simm.s32 @!p0 $0x1BF5;
	p2 =	por !p2, p0  }
0x20: {  	[sflag:s8] =	ssyncset.s32 @!p0 $0xFFFFF086;
	s6 =	sadd.s32 @!p0 s3, s7;
	s7 =	simm.s32 @!p0 $0x108  }
0x21: {  	s3 =	sadd.s32 s3, s9;
	s6 =	sadd.s32 @!p0 $0x88, s6;
	s7 =	simm.s32 @p2 $0x1082  }
0x22: {  	[simem:s7], [sflag:s8] =	dma.local @!p0 [hbm:s6], $0xF7A  }
0x23: {  	s9 =	sor.u32 $0xD0000000, s2;
	s6 =	simm.s32 $0x108;
	_ =	swait.ge @!p0 [sflag:s8], $0x0  }
0x24: {  	s3 =	sadd.s32 $0x88, s3;
	s6 =	simm.s32 @!p1 $0x1082;
	[sflag:s4] =	ssyncset.s32 $0xFFFFF086  }
0x25: {  	[simem:s6], [sflag:s4] =	dma.local [hbm:s3], $0xF7A  }
0x26: {  	[smem:$0x3F9D] =	sst s1;
	(tag) =	ssettag s2;
	_ =	strace s9  }
0x27: {  	s1 =	sld [smem:$0x3FAD]  }
0x28: {  	s2 =	sld [smem:$0x3FAE]  }
0x29: {  	s4 =	sld [smem:$0x3FB0]  }
0x2a: {  	p0 =	seq.s32 s5, $0x0;
	s5 =	sld [smem:$0x3FB1]  }
0x2b: {  	s6 =	sld [smem:$0x3FB2]  }
0x2c: {  	s7 =	sld [smem:$0x3FB3]  }
0x2d: {  	s3 =	simm.s32 $0x108;
	s8 =	sld [smem:$0x3FB4]  }
0x2e: {  	s3 =	simm.s32 @!p0 $0x1082;
	s9 =	sld [smem:$0x3FB5]  }
0x2f: {  	lr =	sadd.s32 s0, s3;
	s0 =	sld [smem:$0x3FAC]  }
0x30: {  	s3 =	sld [smem:$0x3FAF]  }
0x31: {  	[smem:$0x3FB8] =	sst s10  }
0x32: {  	s10 =	sld [smem:$0x3FB6];
	_ =	sdelay $0x3  }
0x33: {  	p0 =	seq.s32 s10, $0x1;
	s10 =	sld [smem:$0x3FB8];
	_ =	sdelay $0x3  }
0x34: {  	[smem:$0x3FB8] =	sst s10  }
0x35: {  	s10 =	sld [smem:$0x3FB7];
	_ =	sdelay $0x3  }
0x36: {  	p1 =	seq.s32 s10, $0x1;
	s10 =	sld [smem:$0x3FB8];
	_ =	sdelay $0x3  }
0x37: {  	[smem:$0x3FB8] =	sst s10  }
0x38: {  	s10 =	sld [smem:$0x3FB9]  }
0x39: {  	_ = 	snop;
	(pc) =	sbr.ind lr, $3  }
0x3a: {  	_ = 	snop  }
0x3b: {  	_ = 	snop  }
0x3c: {  	p2 =	seq.s32 s10, $0x1;
	s10 =	sld [smem:$0x3FB8]  }
0x3d: {  	_ =	shalt  }
0x3e: {  	_ =	shalt  }
0x3f: {  	_ =	shalt  }
0x40: {  	_ =	shalt  }
0x41: {  	_ =	shalt  }
0x42: {  	_ =	shalt  }
0x43: {  	_ =	shalt  }
0x44: {  	_ =	shalt  }
0x45: {  	_ =	shalt  }
0x46: {  	_ =	shalt  }
0x47: {  	_ =	shalt  }
0x48: {  	_ =	shalt  }
0x49: {  	_ =	shalt  }
0x4a: {  	_ =	shalt  }
0x4b: {  	_ =	shalt  }
0x4c: {  	_ =	shalt  }
0x4d: {  	_ =	shalt  }
0x4e: {  	_ =	shalt  }
0x4f: {  	_ =	shalt  }
0x50: {  	_ =	shalt  }
0x51: {  	_ =	shalt  }
0x52: {  	_ =	shalt  }
0x53: {  	_ =	shalt  }
0x54: {  	_ =	shalt  }
0x55: {  	_ =	shalt  }
0x56: {  	_ =	shalt  }
0x57: {  	_ =	shalt  }
0x58: {  	_ =	shalt  }
0x59: {  	_ =	shalt  }
0x5a: {  	_ =	shalt  }
0x5b: {  	_ =	shalt  }
0x5c: {  	_ =	shalt  }
0x5d: {  	_ =	shalt  }
0x5e: {  	_ =	shalt  }
0x5f: {  	_ =	shalt  }
0x60: {  	_ =	shalt  }
0x61: {  	_ =	shalt  }
0x62: {  	_ =	shalt  }
0x63: {  	_ =	shalt  }
0x64: {  	_ =	shalt  }
0x65: {  	_ =	shalt  }
0x66: {  	_ =	shalt  }
0x67: {  	_ =	shalt  }
0x68: {  	_ =	shalt  }
0x69: {  	_ =	shalt  }
0x6a: {  	_ =	shalt  }
0x6b: {  	_ =	shalt  }
0x6c: {  	_ =	shalt  }
0x6d: {  	_ =	shalt  }
0x6e: {  	_ =	shalt  }
0x6f: {  	_ =	shalt  }
0x70: {  	_ =	shalt  }
0x71: {  	_ =	shalt  }
0x72: {  	_ =	shalt  }
0x73: {  	_ =	shalt  }
0x74: {  	_ =	shalt  }
0x75: {  	_ =	shalt  }
0x76: {  	_ =	shalt  }
0x77: {  	_ =	shalt  }
0x78: {  	_ =	shalt  }
0x79: {  	_ =	shalt  }
0x7a: {  	_ =	shalt  }
0x7b: {  	_ =	shalt  }
0x7c: {  	_ =	shalt  }
0x7d: {  	_ =	shalt  }
0x7e: {  	_ =	shalt  }
0x7f: {  	_ =	shalt  }
0x80: {  	_ =	shalt  }
0x81: {  	_ =	shalt  }
0x82: {  	_ =	shalt  }
0x83: {  	_ =	shalt  }
0x84: {  	_ =	shalt  }
0x85: {  	_ =	shalt  }
0x86: {  	_ =	shalt  }
0x87: {  	_ =	shalt  }
.Lfunc_end0:
.L_simem_size_0:
called_computation_lowered:
.L_overlay_start_0:
0x88: {  	s2 =	sld [smem:$0x3FD9]  }
0x89: {  	s3 =	sld [smem:$0x3FFE];
	_ =	sdelay $0x1  }
0x8a: {  	s1 =	srdreg.scid  }
0x8b: {  	s0 =	sand.u32 $0x1, s1  }
0x8c: {  	s17 =	sshll.u32 s0, $0xA;
	s2 =	sadd.s32 s3, s2  }
0x8d: {  	s2 =	sadd.s32 s2, s17  }
0x8e: {  	[smem:$0x3FC4] =	sst s2  }
0x8f: {  	_ = 	snop  }
0x90: {  	s2 =	sld [smem:$0x3FD0];
	(tm) =	ssettm $0x1  }
0x91: {  	s18 =	sld [smem:$0x3FFB];
	_ =	sdelay $0x3  }
0x92: {  	_ =	strace s18  }
0x93: {  	s3 =	sld [smem:$0x3FFC];
	_ =	sdelay $0x3  }
0x94: {  	_ =	strace s3  }
0x95: {  	s3 =	sld [smem:$0x3FFD];
	_ =	sdelay $0x3  }
0x96: {  	_ =	strace s3  }
0x97: {  	_ =	strace $0x8FFFFFFF  }
0x98: {  	s19 =	sld [smem:$0x3FDB];
	_ =	sdelay $0x1  }
0x99: {  	s4 =	simm.s32 $_scs_section_size  }
0x9a: {  	s5 =	simm.s32 $_size__tile_overlayer_lowered;
	s6 =	simm.s32 $_tile_overlayer_lowered  }
0x9b: {  	s22 =	simm.s32 $0x1BFF;
	s21 =	sshll.u32 s6, $0x1;
	s3 =	sadd.s32 s4, s19  }
0x9c: {  	s7 =	simm.s32 $0x0;
	s20 =	sshll.u32 s5, $0x1;
	s5 =	sadd.s32 s21, s3  }
0x9d: {  	[timem:s7], [sflag:s22] =	dma.local [hbm:s5], s20  }
0x9e: {  	_ =	swait.ge [sflag:s22], s20  }
0x9f: {  	s4 =	ssub.s32 $0x0, s20;
	[sflag:s22] =	ssyncset.done $0x0  }
0xa0: {  	[sflag:s22] =	ssyncadd.s32 s4;
	_ =	sdelay $0x1  }
0xa1: {  	s23 =	simm.s32 $0x1B8B  }
0xa2: {  	_ =	swait.ge [sflag:s23], $0x1  }
0xa3: {  	[sflag:s23] =	ssyncset.done $0x0  }
0xa4: {  	s25 =	simm.s32 $0x1B8E;
	s24 =	sld [smem:$0x3FFE];
	[sflag:s23] =	ssyncadd.s32 $0xFFFFFFFF  }
0xa5: {  	s26 =	simm.s32 $execute0_lowered;
	[smem:$0x3FD2] =	sst s25  }
0xa6: {  	s5 =	sshll.u32 s26, $0x1;
	_ =	strace $0x80000046;
	[dreg:$0x1] =	wrdreg $0xFFFFFFFF  }
0xa7: {  	s28 =	simm.s32 $_size_execute0_lowered;
	s3 =	sadd.s32 s3, s5;
	[dreg:$0x0] =	wrdreg $0x0  }
0xa8: {  	s5 =	sshll.u32 s28, $0x1;
	[dreg:$0x2] =	wrdreg s3  }
0xa9: {  	[dreg:$0x3] =	wrdreg s5  }
0xaa: {  	[dreg:$0x4] =	wrdreg $0xC0  }
0xab: {  	_ =	task [dreg:s7], $0x5FFFF  }
0xac: {  	[dreg:$0x1] =	wrdreg $0xFFFFFFFF  }
0xad: {  	[dreg:$0x0] =	wrdreg $0x60  }
0xae: {  	[dreg:$0x2] =	wrdreg s24  }
0xaf: {  	[dreg:$0x3] =	wrdreg s2  }
0xb0: {  	[dreg:$0x4] =	wrdreg $0x9  }
0xb1: {  	_ =	task.clear_ibuf [dreg:s7], $0x5FFFF;
	_ =	strace $0x90000046  }
0xb2: {  	s29 =	simm.s32 $0x9;
	_ =	strace $0x80000048  }
0xb3: {  	_ =	swait.ge [sflag:s29], $0x1  }
0xb4: {  	[sflag:s29] =	ssyncadd.s32 $0xFFFFFFFF  }
0xb5: {  	_ =	strace $0x90000048  }
0xb6: {  	_ =	sfence  }
0xb7: {  	s30 =	sld [smem:$0x0];
	_ =	sdelay $0x2  }
0xb8: {  	s31 =	sshll.u32 s1, $0xD;
	s1 =	sshrl.u32 s1, $0x2  }
0xb9: {  	s3 =	sand.u32 $0x4000, s31;
	s1 =	sadd.s32 s1, s30  }
0xba: {  	s0 =	sor.u32 s3, s0;
	s1 =	sshll.u32 s1, $0x11  }
0xbb: {  	s0 =	sor.u32 s1, s0  }
0xbc: {  	s0 =	sadd.s32 $0x8F2B, s0  }
0xbd: {  	[sflag:s0] =	ssyncadd.remote.s32 $0x1  }
0xbe: {  	_ =	sfence.sel $0xFFFF  }
0xbf: {  	[dreg:$0x0] =	wrdreg $0xFFFFFFFF;
	(pc) =	sbr.abs _section_cstart, $3  }
0xc0: {  	[dreg:$0x1] =	wrdreg $0xFFFFFFFF  }
0xc1: {  	_ =	task.clear_ibuf [dreg:s7], $0x2FFFF;
	_ =	strace $0x9FFFFFFF  }
0xc2: {  	(tm) =	ssettm $0x7FFFFFFF  }
0xc3: {  	_ =	shalt  }
tec
execute0_lowered:
.L_overlay_start_1:
0x0: {  	(tag) =	ssettag $0x1  }
0x1: {  	s0 =	rddreg [dreg:$0x0];
	s1 =	srdreg.scid  }
0x2: {  	s2 =	stileid.u32;
	s3 =	simm.s32 $0x0;
	s8 =	simm.s32 $0x5  }
0x3: {  	s10 =	simm.s32 $0x68;
	s12 =	simm.s32 $0x60;
	s15 =	simm.s32 $0x7080  }
0x4: {  	s16 =	simm.s32 $0x130;
	s17 =	simm.s32 $0x7700;
	s18 =	simm.s32 $0x190  }
0x5: {  	s19 =	simm.s32 $0x7D00;
	s20 =	simm.s32 $0x1F8;
	s21 =	simm.s32 $0x8380  }
0x6: {  	s22 =	simm.s32 $0x258;
	s23 =	simm.s32 $0x8980;
	s24 =	simm.s32 $0x2C0  }
0x7: {  	s25 =	simm.s32 $0x9000;
	s1 =	sand.u32 $0x1, s1;
	s2 =	sshll.u32 s2, $0x1  }
0x8: {  	s26 =	simm.s32 $0x1;
	s28 =	simm.s32 $0x2;
	s2 =	sor.u32 s1, s2  }
0x9: {  	s29 =	simm.s32 $0x3;
	s30 =	simm.s32 $0x4;
	s4 =	smul.u32 $0xC80, s2  }
.Ltmp0:
0xa: {  	[smem:$0x7FF] =	sst s3;
	s1 =	ssub.s32 $0x2, s1;
	(pc) =	sbr.rel .LBB2_1-.Ltmp0, $4  }
0xb: {  	s31 =	simm.s32 $0x9600;
	_ =	strace $0x80000047;
	s6 =	sshrl.u32 s1, $0x1  }
0xc: {  	s2 =	sshll.u32 s2, $0x8;
	s1 =	ssub.s32 s1, s6;
	s5 =	sadd.s32 s4, s0  }
0xd: {  	s4 =	sadd.s32 $0x19A00, s0;
	s0 =	sadd.s32 s2, s0;
	s7 =	smax.u32 s1, $0x1  }
0xe: {  	s1 =	simm.s32 $0x0;
	s5 =	sadd.s32 $0xA00, s5;
	s6 =	sadd.s32 $0x4A800, s0  }
.LBB2_12:
0xf: {  	s1 =	sadd.s32 $0x1, s1  }
0x10: {  	p0 =	sne.s32 s1, s7  }
.Ltmp1:
0x11: {  	_ = 	snop;
	(pc) =	sbr.rel @!p0 .LBB2_13-.Ltmp1, $4  }
0x12: {  	[hbm4b:s6+s3] =	stream.linear.scatter [tilespmem:s31], [sflag:$0x5], $0x800, $0x38;
	[tilespmem:$0x9E10] =	vst v63  }
0x13: {  	_ =	swait.ge [sflag:s8], $0x800  }
0x14: {  	[sflag:s8] =	ssyncset.done $0x0  }
0x15: {  	[sflag:s8] =	ssyncadd.s32 $0xFFFFF800  }
.LBB2_1:
0x16: {  	[tilespmem:s3], [sflag:$0x5] =	stream.linear.gather [hbm4b:s5+s3], $0x6400, $0x38;
	[tilespmem:$0x9E10] =	vst v63  }
0x17: {  	_ =	swait.ge [sflag:s8], $0x6400  }
0x18: {  	[sflag:s8] =	ssyncset.done $0x0  }
0x19: {  	[sflag:s8] =	ssyncadd.s32 $0xFFFF9C00  }
0x1a: {  	s2 =	simm.s32 $0x9E00;
	s0 =	rddreg [dreg:$0x1]  }
0x1b: {  	[tilespmem:s2], [sflag:$0x5] =	stream.linear.gather [hbm4b:s0+s3], $0x10, $0x38;
	[tilespmem:$0x9E10] =	vst v63  }
0x1c: {  	_ =	swait.ge [sflag:s8], $0x10  }
0x1d: {  	[sflag:s8] =	ssyncset.done $0x0  }
0x1e: {  	s11 =	simm.s32 $0x6400;
	[sflag:s8] =	ssyncadd.s32 $0xFFFFFFF0  }
0x1f: {  	v0 =	vld [tilespmem:$0x9E00];
	[tilespmem:s11], [sflag:$0x1] =	stream.indirect.gather [hbm4b:s4+s10], $0x10, s3, s10, $0xb8  }
0x20: {  	s13 =	simm.s32 $0x6A80  }
0x21: {  	[tilespmem:s13], [sflag:$0x1] =	stream.indirect.gather [hbm4b:s4+s12], $0x10, s10, s12, $0xb8;
	[tilespmem:$0x9E10] =	vst v63  }
0x22: {  	s14 =	simm.s32 $0xC8  }
0x23: {  	[tilespmem:s15], [sflag:$0x2] =	stream.indirect.gather [hbm4b:s4+s10], $0x10, s14, s10, $0xb8;
	[tilespmem:$0x9E10] =	vst v63  }
0x24: {  	_ = 	snop  }
0x25: {  	[tilespmem:s17], [sflag:$0x2] =	stream.indirect.gather [hbm4b:s4+s12], $0x10, s16, s12, $0xb8;
	[tilespmem:$0x9E10] =	vst v63  }
0x26: {  	_ = 	snop  }
0x27: {  	[tilespmem:s19], [sflag:$0x3] =	stream.indirect.gather [hbm4b:s4+s10], $0x10, s18, s10, $0xb8;
	[tilespmem:$0x9E10] =	vst v63  }
0x28: {  	_ = 	snop  }
0x29: {  	[tilespmem:s21], [sflag:$0x3] =	stream.indirect.gather [hbm4b:s4+s12], $0x10, s20, s12, $0xb8;
	[tilespmem:$0x9E10] =	vst v63  }
0x2a: {  	_ = 	snop  }
0x2b: {  	[tilespmem:s23], [sflag:$0x4] =	stream.indirect.gather [hbm4b:s4+s10], $0x10, s22, s10, $0xb8;
	[tilespmem:$0x9E10] =	vst v63  }
0x2c: {  	s0 =	simm.s32 $0x0  }
0x2d: {  	[tilespmem:s25], [sflag:$0x4] =	stream.indirect.gather [hbm4b:s4+s12], $0x10, s24, s12, $0xb8;
	[tilespmem:$0x9E10] =	vst v63  }
.LBB2_2:
0x2e: {  	_ =	swait.ge [sflag:s26], $0x680  }
0x2f: {  	[sflag:s26] =	ssyncset.done $0x0  }
0x30: {  	[sflag:s26] =	ssyncadd.s32 $0xFFFFF980  }
0x31: {  	_ =	swait.ge [sflag:s26], $0x600  }
0x32: {  	[sflag:s26] =	ssyncset.done $0x0  }
0x33: {  	[sflag:s26] =	ssyncadd.s32 $0xFFFFFA00  }
0x34: {  	v7 =	vld [tilespmem:$0x6400]  }
0x35: {  	v8 =	vld [tilespmem:$0x6410]  }
0x36: {  	v5 =	vld [tilespmem:$0x6420]  }
0x37: {  	v3 =	vld [tilespmem:$0x6430]  }
0x38: {  	v4 =	vld [tilespmem:$0x6440]  }
0x39: {  	v1 =	vld [tilespmem:$0x6450]  }
0x3a: {  	v2 =	vld [tilespmem:$0x6460]  }
0x3b: {  	s11 =	simm.s32 $0x0;
	v6 =	vld [tilespmem:$0x6470]  }
0x3c: {  	v12 =	vld [tilespmem:s11+$0x64F0]  }
0x3d: {  	v13 =	vld [tilespmem:s11+$0x6480]  }
0x3e: {  	v14 =	vld [tilespmem:s11+$0x6490]  }
0x3f: {  	v11 =	vld [tilespmem:s11+$0x64A0]  }
0x40: {  	v9 =	vld [tilespmem:s11+$0x64B0]  }
0x41: {  	v10 =	vld [tilespmem:s11+$0x64C0]  }
0x42: {  	v6 =	vadd.f32 v12, v6;
	v12 =	vld [tilespmem:s11+$0x64D0]  }
0x43: {  	s2 =	simm.s32 $0x80;
	s9 =	simm.s32 $0x400;
	v7 =	vadd.f32 v13, v7;
	v8 =	vadd.f32 v14, v8;
	v13 =	vld [tilespmem:s11+$0x64E0]  }
.LBB2_3:
0x44: {  	p0 =	sne.s32 s9, $0x2E00;
	v14 =	vld [tilespmem:s2+$0x64F0];
	v5 =	vadd.f32 v11, v5  }
0x45: {  	v15 =	vld [tilespmem:s2+$0x6480];
	v3 =	vadd.f32 v9, v3  }
0x46: {  	v16 =	vld [tilespmem:s2+$0x6490];
	v4 =	vadd.f32 v10, v4  }
.Ltmp2:
0x47: {  	v11 =	vld [tilespmem:s2+$0x64A0];
	v1 =	vadd.f32 v12, v1;
	(pc) =	sbr.rel @p0 .LBB2_3-.Ltmp2, $4  }
0x48: {  	v9 =	vld [tilespmem:s2+$0x64B0];
	v2 =	vadd.f32 v13, v2  }
0x49: {  	v10 =	vld [tilespmem:s2+$0x64C0];
	v6 =	vadd.f32 v14, v6  }
0x4a: {  	v7 =	vadd.f32 v15, v7;
	v12 =	vld [tilespmem:s2+$0x64D0]  }
0x4b: {  	v8 =	vadd.f32 v16, v8;
	v13 =	vld [tilespmem:s2+$0x64E0];
	s2 =	sshra.s32 s9, $0x2;
	s9 =	sadd.s32 $0x200, s9  }
0x4c: {  	v14 =	vld [tilespmem:s2+$0x64F0]  }
0x4d: {  	v15 =	vld [tilespmem:s2+$0x6480]  }
0x4e: {  	v16 =	vld [tilespmem:s2+$0x6490]  }
0x4f: {  	v17 =	vld [tilespmem:s2+$0x64A0]  }
0x50: {  	v18 =	vld [tilespmem:s2+$0x64B0]  }
0x51: {  	v19 =	vld [tilespmem:s2+$0x64C0]  }
0x52: {  	v5 =	vadd.f32 v11, v5;
	v11 =	vld [tilespmem:s2+$0x64D0]  }
0x53: {  	v3 =	vadd.f32 v9, v3;
	v9 =	vld [tilespmem:s2+$0x64E0];
	v4 =	vadd.f32 v10, v4  }
0x54: {  	v1 =	vadd.f32 v12, v1;
	v2 =	vadd.f32 v13, v2  }
0x55: {  	v6 =	vadd.f32 v14, v6;
	v7 =	vadd.f32 v15, v7  }
0x56: {  	v8 =	vadd.f32 v16, v8;
	v5 =	vadd.f32 v17, v5  }
0x57: {  	v3 =	vadd.f32 v18, v3;
	v4 =	vadd.f32 v19, v4  }
0x58: {  	v1 =	vadd.f32 v11, v1;
	v2 =	vadd.f32 v9, v2  }
0x59: {  	v7 =	vadd.f32 v8, v7;
	v3 =	vadd.f32 v3, v5  }
0x5a: {  	v1 =	vadd.f32 v1, v4;
	v2 =	vadd.f32 v6, v2;
	_ =	sdelay $0x1  }
0x5b: {  	v3 =	vadd.f32 v3, v7;
	v1 =	vadd.f32 v2, v1;
	_ =	sdelay $0x1  }
0x5c: {  	p0 =	seq.s32 s0, $0x1F;
	v1 =	vadd.f32 v1, v3  }
0x5d: {  	s9 =	smul.u32 @!p0 $0xC80, s0  }
0x5e: {  	s14 =	sshll.u32 s0, $0x6;
	v1 =	vadd.f32 v1, v0  }
0x5f: {  	s2 =	sand.u32 $0x3FFFFFC0, s14;
	s9 =	sshra.s32 @!p0 s9, $0x2  }
0x60: {  	s13 =	simm.s32 @!p0 $0x68;
	s14 =	simm.s32 @!p0 $0x6400;
	s11 =	sadd.s32 @!p0 $0x320, s9;
	[tilespmem:s2+$0x9600] =	vst v1  }
0x61: {  	[tilespmem:s14], [sflag:$0x1] =	stream.indirect.gather @!p0 [hbm4b:s4+s13], $0x10, s11, s13, $0xb8;
	[tilespmem:$0x9E10] =	vst v63  }
0x62: {  	s11 =	sadd.s32 @!p0 $0x388, s9;
	s13 =	simm.s32 @!p0 $0x60;
	s14 =	simm.s32 @!p0 $0x6A80  }
0x63: {  	[tilespmem:s14], [sflag:$0x1] =	stream.indirect.gather @!p0 [hbm4b:s4+s13], $0x10, s11, s13, $0xb8;
	[tilespmem:$0x9E10] =	vst v63  }
0x64: {  	_ =	swait.ge [sflag:s28], $0x680  }
0x65: {  	[sflag:s28] =	ssyncset.done $0x0  }
0x66: {  	[sflag:s28] =	ssyncadd.s32 $0xFFFFF980  }
0x67: {  	_ =	swait.ge [sflag:s28], $0x600  }
0x68: {  	[sflag:s28] =	ssyncset.done $0x0  }
0x69: {  	[sflag:s28] =	ssyncadd.s32 $0xFFFFFA00  }
0x6a: {  	v7 =	vld [tilespmem:$0x7080]  }
0x6b: {  	v8 =	vld [tilespmem:$0x7090]  }
0x6c: {  	v5 =	vld [tilespmem:$0x70A0]  }
0x6d: {  	v3 =	vld [tilespmem:$0x70B0]  }
0x6e: {  	v4 =	vld [tilespmem:$0x70C0]  }
0x6f: {  	v1 =	vld [tilespmem:$0x70D0]  }
0x70: {  	v2 =	vld [tilespmem:$0x70E0]  }
0x71: {  	s14 =	simm.s32 $0x0;
	v6 =	vld [tilespmem:$0x70F0]  }
0x72: {  	v12 =	vld [tilespmem:s14+$0x7170]  }
0x73: {  	v13 =	vld [tilespmem:s14+$0x7100]  }
0x74: {  	v14 =	vld [tilespmem:s14+$0x7110]  }
0x75: {  	v11 =	vld [tilespmem:s14+$0x7120]  }
0x76: {  	v9 =	vld [tilespmem:s14+$0x7130]  }
0x77: {  	v10 =	vld [tilespmem:s14+$0x7140]  }
0x78: {  	v6 =	vadd.f32 v12, v6;
	v12 =	vld [tilespmem:s14+$0x7150]  }
0x79: {  	s11 =	simm.s32 $0x80;
	s13 =	simm.s32 $0x400;
	v7 =	vadd.f32 v13, v7;
	v8 =	vadd.f32 v14, v8;
	v13 =	vld [tilespmem:s14+$0x7160]  }
.LBB2_5:
0x7a: {  	p1 =	sne.s32 s13, $0x2E00;
	v14 =	vld [tilespmem:s11+$0x7170];
	v5 =	vadd.f32 v11, v5  }
0x7b: {  	v15 =	vld [tilespmem:s11+$0x7100];
	v3 =	vadd.f32 v9, v3  }
0x7c: {  	v16 =	vld [tilespmem:s11+$0x7110];
	v4 =	vadd.f32 v10, v4  }
.Ltmp3:
0x7d: {  	v11 =	vld [tilespmem:s11+$0x7120];
	v1 =	vadd.f32 v12, v1;
	(pc) =	sbr.rel @p1 .LBB2_5-.Ltmp3, $4  }
0x7e: {  	v9 =	vld [tilespmem:s11+$0x7130];
	v2 =	vadd.f32 v13, v2  }
0x7f: {  	v10 =	vld [tilespmem:s11+$0x7140];
	v6 =	vadd.f32 v14, v6  }
0x80: {  	v7 =	vadd.f32 v15, v7;
	v12 =	vld [tilespmem:s11+$0x7150]  }
0x81: {  	v8 =	vadd.f32 v16, v8;
	v13 =	vld [tilespmem:s11+$0x7160];
	s11 =	sshra.s32 s13, $0x2;
	s13 =	sadd.s32 $0x200, s13  }
0x82: {  	v14 =	vld [tilespmem:s11+$0x7170]  }
0x83: {  	v15 =	vld [tilespmem:s11+$0x7100]  }
0x84: {  	v16 =	vld [tilespmem:s11+$0x7110]  }
0x85: {  	v17 =	vld [tilespmem:s11+$0x7120]  }
0x86: {  	v18 =	vld [tilespmem:s11+$0x7130]  }
0x87: {  	v19 =	vld [tilespmem:s11+$0x7140]  }
0x88: {  	v5 =	vadd.f32 v11, v5;
	v11 =	vld [tilespmem:s11+$0x7150]  }
0x89: {  	v3 =	vadd.f32 v9, v3;
	v9 =	vld [tilespmem:s11+$0x7160];
	v4 =	vadd.f32 v10, v4  }
0x8a: {  	v1 =	vadd.f32 v12, v1;
	v2 =	vadd.f32 v13, v2  }
0x8b: {  	v6 =	vadd.f32 v14, v6;
	v7 =	vadd.f32 v15, v7  }
0x8c: {  	v8 =	vadd.f32 v16, v8;
	v5 =	vadd.f32 v17, v5  }
0x8d: {  	v3 =	vadd.f32 v18, v3;
	v4 =	vadd.f32 v19, v4  }
0x8e: {  	v1 =	vadd.f32 v11, v1;
	v2 =	vadd.f32 v9, v2  }
0x8f: {  	v7 =	vadd.f32 v8, v7;
	v3 =	vadd.f32 v3, v5  }
0x90: {  	v1 =	vadd.f32 v1, v4;
	v2 =	vadd.f32 v6, v2;
	_ =	sdelay $0x1  }
0x91: {  	v3 =	vadd.f32 v3, v7;
	v1 =	vadd.f32 v2, v1;
	_ =	sdelay $0x1  }
0x92: {  	v1 =	vadd.f32 v1, v3;
	_ =	sdelay $0x1  }
0x93: {  	v1 =	vadd.f32 v1, v0;
	_ =	sdelay $0x1  }
0x94: {  	s13 =	simm.s32 @!p0 $0x68;
	s14 =	simm.s32 @!p0 $0x7080;
	s11 =	sadd.s32 @!p0 $0x3E8, s9;
	[tilespmem:s2+$0x9610] =	vst v1  }
0x95: {  	[tilespmem:s14], [sflag:$0x2] =	stream.indirect.gather @!p0 [hbm4b:s4+s13], $0x10, s11, s13, $0xb8;
	[tilespmem:$0x9E10] =	vst v63  }
0x96: {  	s11 =	sadd.s32 @!p0 $0x450, s9;
	s13 =	simm.s32 @!p0 $0x60;
	s14 =	simm.s32 @!p0 $0x7700  }
0x97: {  	[tilespmem:s14], [sflag:$0x2] =	stream.indirect.gather @!p0 [hbm4b:s4+s13], $0x10, s11, s13, $0xb8;
	[tilespmem:$0x9E10] =	vst v63  }
0x98: {  	_ =	swait.ge [sflag:s29], $0x680  }
0x99: {  	[sflag:s29] =	ssyncset.done $0x0  }
0x9a: {  	[sflag:s29] =	ssyncadd.s32 $0xFFFFF980  }
0x9b: {  	_ =	swait.ge [sflag:s29], $0x600  }
0x9c: {  	[sflag:s29] =	ssyncset.done $0x0  }
0x9d: {  	[sflag:s29] =	ssyncadd.s32 $0xFFFFFA00  }
0x9e: {  	v7 =	vld [tilespmem:$0x7D00]  }
0x9f: {  	v8 =	vld [tilespmem:$0x7D10]  }
0xa0: {  	v5 =	vld [tilespmem:$0x7D20]  }
0xa1: {  	v3 =	vld [tilespmem:$0x7D30]  }
0xa2: {  	v4 =	vld [tilespmem:$0x7D40]  }
0xa3: {  	v1 =	vld [tilespmem:$0x7D50]  }
0xa4: {  	v2 =	vld [tilespmem:$0x7D60]  }
0xa5: {  	s14 =	simm.s32 $0x0;
	v6 =	vld [tilespmem:$0x7D70]  }
0xa6: {  	v12 =	vld [tilespmem:s14+$0x7DF0]  }
0xa7: {  	v13 =	vld [tilespmem:s14+$0x7D80]  }
0xa8: {  	v14 =	vld [tilespmem:s14+$0x7D90]  }
0xa9: {  	v11 =	vld [tilespmem:s14+$0x7DA0]  }
0xaa: {  	v9 =	vld [tilespmem:s14+$0x7DB0]  }
0xab: {  	v10 =	vld [tilespmem:s14+$0x7DC0]  }
0xac: {  	v6 =	vadd.f32 v12, v6;
	v12 =	vld [tilespmem:s14+$0x7DD0]  }
0xad: {  	s11 =	simm.s32 $0x80;
	s13 =	simm.s32 $0x400;
	v7 =	vadd.f32 v13, v7;
	v8 =	vadd.f32 v14, v8;
	v13 =	vld [tilespmem:s14+$0x7DE0]  }
.LBB2_7:
0xae: {  	p1 =	sne.s32 s13, $0x2E00;
	v14 =	vld [tilespmem:s11+$0x7DF0];
	v5 =	vadd.f32 v11, v5  }
0xaf: {  	v15 =	vld [tilespmem:s11+$0x7D80];
	v3 =	vadd.f32 v9, v3  }
0xb0: {  	v16 =	vld [tilespmem:s11+$0x7D90];
	v4 =	vadd.f32 v10, v4  }
.Ltmp4:
0xb1: {  	v11 =	vld [tilespmem:s11+$0x7DA0];
	v1 =	vadd.f32 v12, v1;
	(pc) =	sbr.rel @p1 .LBB2_7-.Ltmp4, $4  }
0xb2: {  	v9 =	vld [tilespmem:s11+$0x7DB0];
	v2 =	vadd.f32 v13, v2  }
0xb3: {  	v10 =	vld [tilespmem:s11+$0x7DC0];
	v6 =	vadd.f32 v14, v6  }
0xb4: {  	v7 =	vadd.f32 v15, v7;
	v12 =	vld [tilespmem:s11+$0x7DD0]  }
0xb5: {  	v8 =	vadd.f32 v16, v8;
	v13 =	vld [tilespmem:s11+$0x7DE0];
	s11 =	sshra.s32 s13, $0x2;
	s13 =	sadd.s32 $0x200, s13  }
0xb6: {  	v14 =	vld [tilespmem:s11+$0x7DF0]  }
0xb7: {  	v15 =	vld [tilespmem:s11+$0x7D80]  }
0xb8: {  	v16 =	vld [tilespmem:s11+$0x7D90]  }
0xb9: {  	v17 =	vld [tilespmem:s11+$0x7DA0]  }
0xba: {  	v18 =	vld [tilespmem:s11+$0x7DB0]  }
0xbb: {  	v19 =	vld [tilespmem:s11+$0x7DC0]  }
0xbc: {  	v5 =	vadd.f32 v11, v5;
	v11 =	vld [tilespmem:s11+$0x7DD0]  }
0xbd: {  	v3 =	vadd.f32 v9, v3;
	v9 =	vld [tilespmem:s11+$0x7DE0];
	v4 =	vadd.f32 v10, v4  }
0xbe: {  	v1 =	vadd.f32 v12, v1;
	v2 =	vadd.f32 v13, v2  }
0xbf: {  	v6 =	vadd.f32 v14, v6;
	v7 =	vadd.f32 v15, v7  }
0xc0: {  	v8 =	vadd.f32 v16, v8;
	v5 =	vadd.f32 v17, v5  }
0xc1: {  	v3 =	vadd.f32 v18, v3;
	v4 =	vadd.f32 v19, v4  }
0xc2: {  	v1 =	vadd.f32 v11, v1;
	v2 =	vadd.f32 v9, v2  }
0xc3: {  	v7 =	vadd.f32 v8, v7;
	v3 =	vadd.f32 v3, v5  }
0xc4: {  	v1 =	vadd.f32 v1, v4;
	v2 =	vadd.f32 v6, v2;
	_ =	sdelay $0x1  }
0xc5: {  	v3 =	vadd.f32 v3, v7;
	v1 =	vadd.f32 v2, v1;
	_ =	sdelay $0x1  }
0xc6: {  	v1 =	vadd.f32 v1, v3;
	_ =	sdelay $0x1  }
0xc7: {  	v1 =	vadd.f32 v1, v0;
	_ =	sdelay $0x1  }
0xc8: {  	s13 =	simm.s32 @!p0 $0x68;
	s14 =	simm.s32 @!p0 $0x7D00;
	s11 =	sadd.s32 @!p0 $0x4B0, s9;
	[tilespmem:s2+$0x9620] =	vst v1  }
0xc9: {  	[tilespmem:s14], [sflag:$0x3] =	stream.indirect.gather @!p0 [hbm4b:s4+s13], $0x10, s11, s13, $0xb8;
	[tilespmem:$0x9E10] =	vst v63  }
0xca: {  	s9 =	sadd.s32 @!p0 $0x518, s9;
	s11 =	simm.s32 @!p0 $0x60;
	s13 =	simm.s32 @!p0 $0x8380  }
0xcb: {  	[tilespmem:s13], [sflag:$0x3] =	stream.indirect.gather @!p0 [hbm4b:s4+s11], $0x10, s9, s11, $0xb8;
	[tilespmem:$0x9E10] =	vst v63  }
0xcc: {  	_ =	swait.ge [sflag:s30], $0x680  }
0xcd: {  	[sflag:s30] =	ssyncset.done $0x0  }
0xce: {  	[sflag:s30] =	ssyncadd.s32 $0xFFFFF980  }
0xcf: {  	_ =	swait.ge [sflag:s30], $0x600  }
0xd0: {  	[sflag:s30] =	ssyncset.done $0x0  }
0xd1: {  	[sflag:s30] =	ssyncadd.s32 $0xFFFFFA00  }
0xd2: {  	v7 =	vld [tilespmem:$0x8980]  }
0xd3: {  	v8 =	vld [tilespmem:$0x8990]  }
0xd4: {  	v5 =	vld [tilespmem:$0x89A0]  }
0xd5: {  	v3 =	vld [tilespmem:$0x89B0]  }
0xd6: {  	v4 =	vld [tilespmem:$0x89C0]  }
0xd7: {  	v1 =	vld [tilespmem:$0x89D0]  }
0xd8: {  	v2 =	vld [tilespmem:$0x89E0]  }
0xd9: {  	s14 =	simm.s32 $0x0;
	v6 =	vld [tilespmem:$0x89F0]  }
0xda: {  	v12 =	vld [tilespmem:s14+$0x8A70]  }
0xdb: {  	v13 =	vld [tilespmem:s14+$0x8A00]  }
0xdc: {  	v14 =	vld [tilespmem:s14+$0x8A10]  }
0xdd: {  	v11 =	vld [tilespmem:s14+$0x8A20]  }
0xde: {  	v9 =	vld [tilespmem:s14+$0x8A30]  }
0xdf: {  	v10 =	vld [tilespmem:s14+$0x8A40]  }
0xe0: {  	v6 =	vadd.f32 v12, v6;
	v12 =	vld [tilespmem:s14+$0x8A50]  }
0xe1: {  	s9 =	simm.s32 $0x80;
	s11 =	simm.s32 $0x400;
	v7 =	vadd.f32 v13, v7;
	v8 =	vadd.f32 v14, v8;
	v13 =	vld [tilespmem:s14+$0x8A60]  }
.LBB2_9:
0xe2: {  	p1 =	sne.s32 s11, $0x2E00;
	v14 =	vld [tilespmem:s9+$0x8A70];
	v5 =	vadd.f32 v11, v5  }
0xe3: {  	v15 =	vld [tilespmem:s9+$0x8A00];
	v3 =	vadd.f32 v9, v3  }
0xe4: {  	v16 =	vld [tilespmem:s9+$0x8A10];
	v4 =	vadd.f32 v10, v4  }
.Ltmp5:
0xe5: {  	v11 =	vld [tilespmem:s9+$0x8A20];
	v1 =	vadd.f32 v12, v1;
	(pc) =	sbr.rel @p1 .LBB2_9-.Ltmp5, $4  }
0xe6: {  	v9 =	vld [tilespmem:s9+$0x8A30];
	v2 =	vadd.f32 v13, v2  }
0xe7: {  	v10 =	vld [tilespmem:s9+$0x8A40];
	v6 =	vadd.f32 v14, v6  }
0xe8: {  	v7 =	vadd.f32 v15, v7;
	v12 =	vld [tilespmem:s9+$0x8A50]  }
0xe9: {  	v8 =	vadd.f32 v16, v8;
	v13 =	vld [tilespmem:s9+$0x8A60];
	s9 =	sshra.s32 s11, $0x2;
	s11 =	sadd.s32 $0x200, s11  }
0xea: {  	v14 =	vld [tilespmem:s9+$0x8A70]  }
0xeb: {  	v15 =	vld [tilespmem:s9+$0x8A00]  }
0xec: {  	v16 =	vld [tilespmem:s9+$0x8A10]  }
0xed: {  	v17 =	vld [tilespmem:s9+$0x8A20]  }
0xee: {  	v18 =	vld [tilespmem:s9+$0x8A30]  }
0xef: {  	v19 =	vld [tilespmem:s9+$0x8A40]  }
0xf0: {  	v5 =	vadd.f32 v11, v5;
	v62 =	vld [tilespmem:s9+$0x8A50]  }
0xf1: {  	v63 =	vld [tilespmem:s9+$0x8A60];
	v3 =	vadd.f32 v9, v3;
	v4 =	vadd.f32 v10, v4  }
0xf2: {  	v1 =	vadd.f32 v12, v1;
	v2 =	vadd.f32 v13, v2  }
0xf3: {  	v6 =	vadd.f32 v14, v6;
	v7 =	vadd.f32 v15, v7  }
0xf4: {  	v8 =	vadd.f32 v16, v8;
	v5 =	vadd.f32 v17, v5  }
0xf5: {  	v3 =	vadd.f32 v18, v3;
	v4 =	vadd.f32 v19, v4  }
0xf6: {  	v1 =	vadd.f32 v62, v1;
	v2 =	vadd.f32 v63, v2  }
0xf7: {  	v7 =	vadd.f32 v8, v7;
	v3 =	vadd.f32 v3, v5  }
0xf8: {  	v1 =	vadd.f32 v1, v4;
	v2 =	vadd.f32 v6, v2;
	_ =	sdelay $0x1  }
0xf9: {  	v3 =	vadd.f32 v3, v7;
	v1 =	vadd.f32 v2, v1;
	_ =	sdelay $0x1  }
.Ltmp6:
0xfa: {  	v1 =	vadd.f32 v1, v3;
	(pc) =	sbr.rel @p0 .LBB2_12-.Ltmp6, $3  }
0xfb: {  	_ = 	snop  }
0xfc: {  	v1 =	vadd.f32 v1, v0;
	_ =	sdelay $0x1  }
0xfd: {  	[tilespmem:s2+$0x9630] =	vst v1  }
0xfe: {  	s2 =	smul.u32 $0xC80, s0;
	_ =	sdelay $0x1  }
.Ltmp7:
0xff: {  	s2 =	sshra.s32 s2, $0x2;
	(pc) =	sbr.rel .LBB2_2-.Ltmp7, $4  }
0x100: {  	s9 =	sadd.s32 $0x578, s2  }
0x101: {  	[tilespmem:s23], [sflag:$0x4] =	stream.indirect.gather [hbm4b:s4+s10], $0x10, s9, s10, $0xb8;
	[tilespmem:$0x9E10] =	vst v63  }
0x102: {  	s0 =	sadd.s32 $0x1, s0;
	s2 =	sadd.s32 $0x5E0, s2  }
0x103: {  	[tilespmem:s25], [sflag:$0x4] =	stream.indirect.gather [hbm4b:s4+s12], $0x10, s2, s12, $0xb8;
	[tilespmem:$0x9E10] =	vst v63  }
.LBB2_13:
0x104: {  	_ =	sfence.sel $0x180000  }
0x105: {  	[bflag:$0x0] =	sbarrier.arrive $0xFFFF  }
0x106: {  	_ =	strace $0x90000047  }
0x107: {  	s0 =	stileid.u32;
	[bflag:$0x2] =	sbarrier.arrive $0xFFFF  }
0x108: {  	p0 =	sne.s32 s0, $0x0;
	s0 =	rddreg [dreg:$0x2]  }
0x109: {  	s0 =	sadd.s32 @!p0 $0x100000, s0  }
0x10a: {  	[sflag:s0] =	ssyncadd.tile.s32 @!p0 $0x1;
	_ =	shalt  }
.Lfunc_end2:
_tile_overlayer_lowered:
.L_overlay_start_2:
0x10b: {  	(tag) =	ssettag $0x2  }
0x10c: {  	s0 =	rddreg [dreg:$0x0];
	s2 =	stileid.u32  }
0x10d: {  	s1 =	rddreg [dreg:$0x1];
	p0 =	sne.s32 s2, $0x0  }
0x10e: {  	s3 =	rddreg [dreg:$0x2];
	[bflag:$0x3] =	sbarrier.arrive $0xFFFF;
	s2 =	simm.s32 @!p0 $0x1C05  }
0x10f: {  	[timem:s3], [sflag:s2] =	dma.local @!p0 [hbm:s0], s1  }
0x110: {  	s0 =	simm.s32 @!p0 $0x5  }
0x111: {  	_ =	swait.ge @!p0 [sflag:s0], s1  }
0x112: {  	s1 =	ssub.s32 @!p0 $0x0, s1;
	[sflag:s0] =	ssyncset.done @!p0 $0x0  }
0x113: {  	[sflag:s0] =	ssyncadd.s32 @!p0 s1  }
0x114: {  	[bflag:$0x3] =	sbarrier.arrive $0xFFFF  }
0x115: {  	_ =	shalt  }

</sc_bundles>
